<compile_context>
chip_gen: v7x
topology: tpu7x:2x2x1
jax: 0.10.2.dev20260603
libtpu: 0.0.44.dev20260713+nightly
codegen_flags: <defaults>
</compile_context>

<pallas_src>
import functools

import jax
import jax.numpy as jnp
from jax import lax
from jax.experimental import pallas as pl
from jax.experimental.pallas import tpu as pltpu
from jax.experimental.pallas import tpu_sc as plsc

N = 1024
N_OFF = N * (N - 1) // 2
OFF2 = N * (N + 1) // 2
NC, NS = 2, 16
NW = NC * NS
ROWS_PER_W = N // NW
CHUNK = 128
NCHUNK = N // CHUNK


def _build(jraw2, jt):
    mesh = plsc.VectorSubcoreMesh(core_axis_name="c", subcore_axis_name="s")

    @functools.partial(
        pl.kernel,
        mesh=mesh,
        compiler_params=pltpu.CompilerParams(
            needs_layout_passes=False, use_tc_tiling_on_sc=False),
        out_type=jax.ShapeDtypeStruct((N * N, 4), jnp.float32),
        scratch_types=[
            pltpu.VMEM((N,), jnp.int32),
            pltpu.VMEM((NCHUNK, CHUNK), jnp.int32),
            pltpu.VMEM((N, 4), jnp.float32),
            pltpu.SemaphoreType.DMA,
        ],
    )
    def k(jraw_hbm, jt_hbm, out_hbm, idx_v, idx2_v, stage_v, sem):
        wid = lax.axis_index("s") * NC + lax.axis_index("c")
        lane = lax.iota(jnp.int32, 16)
        sub = lane & 3
        rbase = lane >> 2
        cflip = jnp.where(sub == 1, 2, jnp.where(sub == 2, 1, sub))

        def row_body(i, carry):
            j = i * NW + wid

            pltpu.sync_copy(jt_hbm.at[pl.ds(j * N, N)], idx_v)

            for c in range(NCHUNK):
                def xform(m, cc, c=c):
                    v = idx_v[pl.ds(c * CHUNK + m * 16, 16)]
                    idx2_v[c, pl.ds(m * 16, 16)] = jnp.where(
                        v >= OFF2, v - OFF2, jnp.where(v >= N_OFF, 0, v))
                    return cc
                lax.fori_loop(0, CHUNK // 16, xform, 0)

            cps = [
                pltpu.async_copy(
                    jraw_hbm.at[idx2_v.at[c]],
                    stage_v.at[pl.ds(c * CHUNK, CHUNK)],
                    sem,
                )
                for c in range(NCHUNK)
            ]
            for cp in cps:
                cp.wait()

            def flip(kk, c):
                rv = kk * 4 + rbase
                v = plsc.load_gather(stage_v, [rv, cflip])
                plsc.store_scatter(stage_v, [rv, sub], v)
                return c
            lax.fori_loop(0, j >> 2, flip, 0)
            rv = (j >> 2) * 4 + rbase
            v = plsc.load_gather(stage_v, [rv, cflip])
            v = jnp.where(rv == j, 0.0, v)
            plsc.store_scatter(stage_v, [rv, sub], v, mask=rv <= j)

            pltpu.sync_copy(stage_v, out_hbm.at[pl.ds(j * N, N)])
            return carry

        lax.fori_loop(0, ROWS_PER_W, row_body, 0)

    return k(jraw2, jt)


def kernel(Jraw, J_transf):
    jraw2 = Jraw.reshape(N_OFF, 4)
    out = _build(jraw2, J_transf.astype(jnp.int32))
    return out.reshape(N, N, 2, 2)

# --- scband reference (transcript-rebuilt; emitter-appended) ---
"""Pipeline reference for scband-jorganizer-87058987090240 (READ-ONLY COPY).

The authoritative reference and input builder live on the scoring server;
editing this copy changes nothing except your own understanding.
"""

import jax, jax.numpy as jnp
import numpy as np

N = 1024

def _make_transfer(N):
    idx = np.zeros(N * N, dtype=np.int64)
    j, jp = np.triu_indices(N, k=1)
    pos = np.arange(j.shape[0], dtype=np.int64)
    offset1 = N * (N - 1) // 2
    offset2 = N * (N + 1) // 2
    idx[j * N + jp] = pos
    idx[jp * N + j] = offset2 + pos
    d = np.arange(N, dtype=np.int64)
    idx[d * N + d] = offset1 + d
    return jnp.asarray(idx)

def setup_inputs(seed: int = 0) -> dict:
    key = jax.random.key(seed)
    n_off = N * (N - 1) // 2
    Jraw = jax.random.normal(key, (n_off, 2, 2), dtype=jnp.float32)
    J_transf = _make_transfer(N)
    return {"Jraw": Jraw, "J_transf": J_transf}

def reference(Jraw, J_transf):
    diag = jnp.zeros((N, 2, 2), dtype=Jraw.dtype)
    flip = jnp.transpose(Jraw, (0, 2, 1))
    concat = jnp.concatenate([Jraw, diag, flip], axis=0)
    reorder = jnp.take(concat, J_transf, axis=0)
    Jmat = reorder.reshape(N, N, 2, 2)
    return Jmat

if __name__ == "__main__":
    import jax
    _d = setup_inputs()
    print(jax.jit(kernel)(*tuple(_d.values())))

</pallas_src>

<mosaic_0001>
#map = affine_map<(d0, d1) -> (0, 0)>
#map1 = affine_map<(d0, d1) -> (0)>
module attributes {stable_mosaic.version = 14 : i64} {
  func.func @k(%arg0: i32, %arg1: i32, %arg2: memref<523776x4xf32, #tpu.memory_space<hbm>>, %arg3: memref<1048576xi32, #tpu.memory_space<hbm>>, %arg4: memref<1048576x4xf32, #tpu.memory_space<hbm>>, %arg5: memref<1024xi32, #tpu.memory_space<vmem>>, %arg6: memref<8x128xi32, #tpu.memory_space<vmem>>, %arg7: memref<1024x4xf32, #tpu.memory_space<vmem>>, %arg8: memref<!tpu.dma_semaphore, #tpu.memory_space<semaphore_mem>>) attributes {dimension_semantics = [#tpu.dimension_semantics<core_parallel>, #tpu.dimension_semantics<subcore_parallel>], iteration_bounds = array<i64: 2, 16>, scalar_prefetch = 0 : i64, scratch_operands = 4 : i64, tpu.core_type = #tpu.core_type<sc_vector_subcore>, window_params = [{transform_indices = #map}, {transform_indices = #map1}, {transform_indices = #map}]} {
    %mul3A = arith.constant 2 : i32
    %mul3A_0 = arith.muli %arg1, %mul3A : i32
    %add3A = arith.addi %mul3A_0, %arg0 : i32
    %iota3A = tpu.iota {dimensions = array<i32: 0>} : vector<16xi32>
    %and3A = arith.constant 3 : i32
    %and3A_1 = vector.broadcast %and3A : i32 to vector<16xi32>
    %and3A_2 = arith.andi %iota3A, %and3A_1 : vector<16xi32>
    %shift_right_arithmetic3A = arith.constant 2 : i32
    %shift_right_arithmetic3A_3 = vector.broadcast %shift_right_arithmetic3A : i32 to vector<16xi32>
    %shift_right_arithmetic3A_4 = arith.shrsi %iota3A, %shift_right_arithmetic3A_3 : vector<16xi32>
    %eq3A = arith.constant 1 : i32
    %eq3A_5 = vector.broadcast %eq3A : i32 to vector<16xi32>
    %eq3A_6 = arith.cmpi eq, %and3A_2, %eq3A_5 : vector<16xi32>
    %eq3A_7 = arith.constant 2 : i32
    %eq3A_8 = vector.broadcast %eq3A_7 : i32 to vector<16xi32>
    %eq3A_9 = arith.cmpi eq, %and3A_2, %eq3A_8 : vector<16xi32>
    %jit3A = arith.constant 1 : i32
    %broadcast_in_dim3A = vector.broadcast %jit3A : i32 to vector<16xi32>
    %select_n3A = arith.select %eq3A_9, %broadcast_in_dim3A, %and3A_2 : vector<16xi1>, vector<16xi32>
    %jit3A_10 = arith.constant 2 : i32
    %broadcast_in_dim3A_11 = vector.broadcast %jit3A_10 : i32 to vector<16xi32>
    %select_n3A_12 = arith.select %eq3A_6, %broadcast_in_dim3A_11, %select_n3A : vector<16xi1>, vector<16xi32>
    %scan3A = arith.constant 0 : i32
    %scan3A_13 = arith.constant 0 : i32
    %scan3A_14 = arith.constant 32 : i32
    %scan3A_15 = arith.addi %scan3A_13, %scan3A_14 : i32
    %scan3A_16 = arith.constant 1 : i32
    scf.for %scan3A_18 = %scan3A_13 to %scan3A_15 step %scan3A_16  : i32 {
      %mul3A_19 = arith.constant 32 : i32
      %mul3A_20 = arith.muli %scan3A_18, %mul3A_19 : i32
      %add3A_21 = arith.addi %mul3A_20, %add3A : i32
      %mul3A_22 = arith.constant 1024 : i32
      %mul3A_23 = arith.muli %add3A_21, %mul3A_22 : i32
      "tpu.region"() ({
        %run_scoped3A = tpu.sem_alloc : memref<!tpu.dma_semaphore, #tpu.memory_space<semaphore_mem>>
        %dma_start3A_255 = tpu.memref_slice %arg3[%mul3A_23] : memref<1048576xi32, #tpu.memory_space<hbm>> -> memref<1024xi32, #tpu.memory_space<hbm>>
        %dma_start3A_256 = tpu.memref_slice %arg3[%mul3A_23] : memref<1048576xi32, #tpu.memory_space<hbm>> -> memref<1024xi32, #tpu.memory_space<hbm>>
        tpu.enqueue_dma source(%dma_start3A_256 : memref<1024xi32, #tpu.memory_space<hbm>>) target(%arg5 : memref<1024xi32, #tpu.memory_space<vmem>>) target_semaphore(%run_scoped3A : memref<!tpu.dma_semaphore, #tpu.memory_space<semaphore_mem>>)
        %dma_wait3A_257 = tpu.memref_slice %arg3[%mul3A_23] : memref<1048576xi32, #tpu.memory_space<hbm>> -> memref<1024xi32, #tpu.memory_space<hbm>>
        %dma_wait3A_258 = tpu.memref_slice %arg3[%mul3A_23] : memref<1048576xi32, #tpu.memory_space<hbm>> -> memref<1024xi32, #tpu.memory_space<hbm>>
        tpu.wait_dma2 semaphore(%run_scoped3A : memref<!tpu.dma_semaphore, #tpu.memory_space<semaphore_mem>>) src(%dma_wait3A_258 : memref<1024xi32, #tpu.memory_space<hbm>>) dst(%arg5 : memref<1024xi32, #tpu.memory_space<vmem>>)
        tpu.yield
      }) : () -> ()
      %scan3A_24 = arith.constant 0 : i32
      %scan3A_25 = arith.constant 0 : i32
      %scan3A_26 = arith.constant 8 : i32
      %scan3A_27 = arith.addi %scan3A_25, %scan3A_26 : i32
      %scan3A_28 = arith.constant 1 : i32
      scf.for %scan3A_255 = %scan3A_25 to %scan3A_27 step %scan3A_28  : i32 {
        %mul3A_256 = arith.constant 16 : i32
        %mul3A_257 = arith.muli %scan3A_255, %mul3A_256 : i32
        %add3A_258 = arith.constant 0 : i32
        %add3A_259 = arith.addi %add3A_258, %mul3A_257 : i32
        %get3A = arith.index_cast %add3A_259 : i32 to index
        %get3A_260 = tpu.vector_load %arg5[%get3A] {strides = array<i32>} : memref<1024xi32, #tpu.memory_space<vmem>>, vector<16xi32>,
        %ge3A = arith.constant 524800 : i32
        %ge3A_261 = vector.broadcast %ge3A : i32 to vector<16xi32>
        %ge3A_262 = arith.cmpi sge, %get3A_260, %ge3A_261 : vector<16xi32>
        %sub3A = arith.constant 524800 : i32
        %sub3A_263 = vector.broadcast %sub3A : i32 to vector<16xi32>
        %sub3A_264 = arith.subi %get3A_260, %sub3A_263 : vector<16xi32>
        %ge3A_265 = arith.constant 523776 : i32
        %ge3A_266 = vector.broadcast %ge3A_265 : i32 to vector<16xi32>
        %ge3A_267 = arith.cmpi sge, %get3A_260, %ge3A_266 : vector<16xi32>
        %jit3A_268 = arith.constant 0 : i32
        %broadcast_in_dim3A_269 = vector.broadcast %jit3A_268 : i32 to vector<16xi32>
        %select_n3A_270 = arith.select %ge3A_267, %broadcast_in_dim3A_269, %get3A_260 : vector<16xi1>, vector<16xi32>
        %select_n3A_271 = arith.select %ge3A_262, %sub3A_264, %select_n3A_270 : vector<16xi1>, vector<16xi32>
        %mul3A_272 = arith.constant 16 : i32
        %mul3A_273 = arith.muli %scan3A_255, %mul3A_272 : i32
        %swap3A = arith.constant 0 : i32
        %swap3A_274 = arith.index_cast %swap3A : i32 to index
        %swap3A_275 = arith.index_cast %mul3A_273 : i32 to index
        %swap3A_276 = tpu.vector_load %arg6[%swap3A_274, %swap3A_275] {strides = array<i32>} : memref<8x128xi32, #tpu.memory_space<vmem>>, vector<16xi32>,
        tpu.vector_store %arg6[%swap3A_274, %swap3A_275], %select_n3A_271 {strides = array<i32>} : memref<8x128xi32, #tpu.memory_space<vmem>>, vector<16xi32>,
      }
      %scan3A_29 = arith.constant 8 : i32
      %scan3A_30 = arith.constant 0 : i32
      %scan3A_31 = arith.constant 0 : i32
      %scan3A_32 = arith.constant 8 : i32
      %scan3A_33 = arith.addi %scan3A_31, %scan3A_32 : i32
      %scan3A_34 = arith.constant 1 : i32
      scf.for %scan3A_255 = %scan3A_31 to %scan3A_33 step %scan3A_34  : i32 {
        %mul3A_256 = arith.constant 16 : i32
        %mul3A_257 = arith.muli %scan3A_255, %mul3A_256 : i32
        %add3A_258 = arith.constant 128 : i32
        %add3A_259 = arith.addi %add3A_258, %mul3A_257 : i32
        %get3A = arith.index_cast %add3A_259 : i32 to index
        %get3A_260 = tpu.vector_load %arg5[%get3A] {strides = array<i32>} : memref<1024xi32, #tpu.memory_space<vmem>>, vector<16xi32>,
        %ge3A = arith.constant 524800 : i32
        %ge3A_261 = vector.broadcast %ge3A : i32 to vector<16xi32>
        %ge3A_262 = arith.cmpi sge, %get3A_260, %ge3A_261 : vector<16xi32>
        %sub3A = arith.constant 524800 : i32
        %sub3A_263 = vector.broadcast %sub3A : i32 to vector<16xi32>
        %sub3A_264 = arith.subi %get3A_260, %sub3A_263 : vector<16xi32>
        %ge3A_265 = arith.constant 523776 : i32
        %ge3A_266 = vector.broadcast %ge3A_265 : i32 to vector<16xi32>
        %ge3A_267 = arith.cmpi sge, %get3A_260, %ge3A_266 : vector<16xi32>
        %jit3A_268 = arith.constant 0 : i32
        %broadcast_in_dim3A_269 = vector.broadcast %jit3A_268 : i32 to vector<16xi32>
        %select_n3A_270 = arith.select %ge3A_267, %broadcast_in_dim3A_269, %get3A_260 : vector<16xi1>, vector<16xi32>
        %select_n3A_271 = arith.select %ge3A_262, %sub3A_264, %select_n3A_270 : vector<16xi1>, vector<16xi32>
        %mul3A_272 = arith.constant 16 : i32
        %mul3A_273 = arith.muli %scan3A_255, %mul3A_272 : i32
        %swap3A = arith.constant 1 : i32
        %swap3A_274 = arith.index_cast %swap3A : i32 to index
        %swap3A_275 = arith.index_cast %mul3A_273 : i32 to index
        %swap3A_276 = tpu.vector_load %arg6[%swap3A_274, %swap3A_275] {strides = array<i32>} : memref<8x128xi32, #tpu.memory_space<vmem>>, vector<16xi32>,
        tpu.vector_store %arg6[%swap3A_274, %swap3A_275], %select_n3A_271 {strides = array<i32>} : memref<8x128xi32, #tpu.memory_space<vmem>>, vector<16xi32>,
      }
      %scan3A_35 = arith.constant 8 : i32
      %scan3A_36 = arith.constant 0 : i32
      %scan3A_37 = arith.constant 0 : i32
      %scan3A_38 = arith.constant 8 : i32
      %scan3A_39 = arith.addi %scan3A_37, %scan3A_38 : i32
      %scan3A_40 = arith.constant 1 : i32
      scf.for %scan3A_255 = %scan3A_37 to %scan3A_39 step %scan3A_40  : i32 {
        %mul3A_256 = arith.constant 16 : i32
        %mul3A_257 = arith.muli %scan3A_255, %mul3A_256 : i32
        %add3A_258 = arith.constant 256 : i32
        %add3A_259 = arith.addi %add3A_258, %mul3A_257 : i32
        %get3A = arith.index_cast %add3A_259 : i32 to index
        %get3A_260 = tpu.vector_load %arg5[%get3A] {strides = array<i32>} : memref<1024xi32, #tpu.memory_space<vmem>>, vector<16xi32>,
        %ge3A = arith.constant 524800 : i32
        %ge3A_261 = vector.broadcast %ge3A : i32 to vector<16xi32>
        %ge3A_262 = arith.cmpi sge, %get3A_260, %ge3A_261 : vector<16xi32>
        %sub3A = arith.constant 524800 : i32
        %sub3A_263 = vector.broadcast %sub3A : i32 to vector<16xi32>
        %sub3A_264 = arith.subi %get3A_260, %sub3A_263 : vector<16xi32>
        %ge3A_265 = arith.constant 523776 : i32
        %ge3A_266 = vector.broadcast %ge3A_265 : i32 to vector<16xi32>
        %ge3A_267 = arith.cmpi sge, %get3A_260, %ge3A_266 : vector<16xi32>
        %jit3A_268 = arith.constant 0 : i32
        %broadcast_in_dim3A_269 = vector.broadcast %jit3A_268 : i32 to vector<16xi32>
        %select_n3A_270 = arith.select %ge3A_267, %broadcast_in_dim3A_269, %get3A_260 : vector<16xi1>, vector<16xi32>
        %select_n3A_271 = arith.select %ge3A_262, %sub3A_264, %select_n3A_270 : vector<16xi1>, vector<16xi32>
        %mul3A_272 = arith.constant 16 : i32
        %mul3A_273 = arith.muli %scan3A_255, %mul3A_272 : i32
        %swap3A = arith.constant 2 : i32
        %swap3A_274 = arith.index_cast %swap3A : i32 to index
        %swap3A_275 = arith.index_cast %mul3A_273 : i32 to index
        %swap3A_276 = tpu.vector_load %arg6[%swap3A_274, %swap3A_275] {strides = array<i32>} : memref<8x128xi32, #tpu.memory_space<vmem>>, vector<16xi32>,
        tpu.vector_store %arg6[%swap3A_274, %swap3A_275], %select_n3A_271 {strides = array<i32>} : memref<8x128xi32, #tpu.memory_space<vmem>>, vector<16xi32>,
      }
      %scan3A_41 = arith.constant 8 : i32
      %scan3A_42 = arith.constant 0 : i32
      %scan3A_43 = arith.constant 0 : i32
      %scan3A_44 = arith.constant 8 : i32
      %scan3A_45 = arith.addi %scan3A_43, %scan3A_44 : i32
      %scan3A_46 = arith.constant 1 : i32
      scf.for %scan3A_255 = %scan3A_43 to %scan3A_45 step %scan3A_46  : i32 {
        %mul3A_256 = arith.constant 16 : i32
        %mul3A_257 = arith.muli %scan3A_255, %mul3A_256 : i32
        %add3A_258 = arith.constant 384 : i32
        %add3A_259 = arith.addi %add3A_258, %mul3A_257 : i32
        %get3A = arith.index_cast %add3A_259 : i32 to index
        %get3A_260 = tpu.vector_load %arg5[%get3A] {strides = array<i32>} : memref<1024xi32, #tpu.memory_space<vmem>>, vector<16xi32>,
        %ge3A = arith.constant 524800 : i32
        %ge3A_261 = vector.broadcast %ge3A : i32 to vector<16xi32>
        %ge3A_262 = arith.cmpi sge, %get3A_260, %ge3A_261 : vector<16xi32>
        %sub3A = arith.constant 524800 : i32
        %sub3A_263 = vector.broadcast %sub3A : i32 to vector<16xi32>
        %sub3A_264 = arith.subi %get3A_260, %sub3A_263 : vector<16xi32>
        %ge3A_265 = arith.constant 523776 : i32
        %ge3A_266 = vector.broadcast %ge3A_265 : i32 to vector<16xi32>
        %ge3A_267 = arith.cmpi sge, %get3A_260, %ge3A_266 : vector<16xi32>
        %jit3A_268 = arith.constant 0 : i32
        %broadcast_in_dim3A_269 = vector.broadcast %jit3A_268 : i32 to vector<16xi32>
        %select_n3A_270 = arith.select %ge3A_267, %broadcast_in_dim3A_269, %get3A_260 : vector<16xi1>, vector<16xi32>
        %select_n3A_271 = arith.select %ge3A_262, %sub3A_264, %select_n3A_270 : vector<16xi1>, vector<16xi32>
        %mul3A_272 = arith.constant 16 : i32
        %mul3A_273 = arith.muli %scan3A_255, %mul3A_272 : i32
        %swap3A = arith.constant 3 : i32
        %swap3A_274 = arith.index_cast %swap3A : i32 to index
        %swap3A_275 = arith.index_cast %mul3A_273 : i32 to index
        %swap3A_276 = tpu.vector_load %arg6[%swap3A_274, %swap3A_275] {strides = array<i32>} : memref<8x128xi32, #tpu.memory_space<vmem>>, vector<16xi32>,
        tpu.vector_store %arg6[%swap3A_274, %swap3A_275], %select_n3A_271 {strides = array<i32>} : memref<8x128xi32, #tpu.memory_space<vmem>>, vector<16xi32>,
      }
      %scan3A_47 = arith.constant 8 : i32
      %scan3A_48 = arith.constant 0 : i32
      %scan3A_49 = arith.constant 0 : i32
      %scan3A_50 = arith.constant 8 : i32
      %scan3A_51 = arith.addi %scan3A_49, %scan3A_50 : i32
      %scan3A_52 = arith.constant 1 : i32
      scf.for %scan3A_255 = %scan3A_49 to %scan3A_51 step %scan3A_52  : i32 {
        %mul3A_256 = arith.constant 16 : i32
        %mul3A_257 = arith.muli %scan3A_255, %mul3A_256 : i32
        %add3A_258 = arith.constant 512 : i32
        %add3A_259 = arith.addi %add3A_258, %mul3A_257 : i32
        %get3A = arith.index_cast %add3A_259 : i32 to index
        %get3A_260 = tpu.vector_load %arg5[%get3A] {strides = array<i32>} : memref<1024xi32, #tpu.memory_space<vmem>>, vector<16xi32>,
        %ge3A = arith.constant 524800 : i32
        %ge3A_261 = vector.broadcast %ge3A : i32 to vector<16xi32>
        %ge3A_262 = arith.cmpi sge, %get3A_260, %ge3A_261 : vector<16xi32>
        %sub3A = arith.constant 524800 : i32
        %sub3A_263 = vector.broadcast %sub3A : i32 to vector<16xi32>
        %sub3A_264 = arith.subi %get3A_260, %sub3A_263 : vector<16xi32>
        %ge3A_265 = arith.constant 523776 : i32
        %ge3A_266 = vector.broadcast %ge3A_265 : i32 to vector<16xi32>
        %ge3A_267 = arith.cmpi sge, %get3A_260, %ge3A_266 : vector<16xi32>
        %jit3A_268 = arith.constant 0 : i32
        %broadcast_in_dim3A_269 = vector.broadcast %jit3A_268 : i32 to vector<16xi32>
        %select_n3A_270 = arith.select %ge3A_267, %broadcast_in_dim3A_269, %get3A_260 : vector<16xi1>, vector<16xi32>
        %select_n3A_271 = arith.select %ge3A_262, %sub3A_264, %select_n3A_270 : vector<16xi1>, vector<16xi32>
        %mul3A_272 = arith.constant 16 : i32
        %mul3A_273 = arith.muli %scan3A_255, %mul3A_272 : i32
        %swap3A = arith.constant 4 : i32
        %swap3A_274 = arith.index_cast %swap3A : i32 to index
        %swap3A_275 = arith.index_cast %mul3A_273 : i32 to index
        %swap3A_276 = tpu.vector_load %arg6[%swap3A_274, %swap3A_275] {strides = array<i32>} : memref<8x128xi32, #tpu.memory_space<vmem>>, vector<16xi32>,
        tpu.vector_store %arg6[%swap3A_274, %swap3A_275], %select_n3A_271 {strides = array<i32>} : memref<8x128xi32, #tpu.memory_space<vmem>>, vector<16xi32>,
      }
      %scan3A_53 = arith.constant 8 : i32
      %scan3A_54 = arith.constant 0 : i32
      %scan3A_55 = arith.constant 0 : i32
      %scan3A_56 = arith.constant 8 : i32
      %scan3A_57 = arith.addi %scan3A_55, %scan3A_56 : i32
      %scan3A_58 = arith.constant 1 : i32
      scf.for %scan3A_255 = %scan3A_55 to %scan3A_57 step %scan3A_58  : i32 {
        %mul3A_256 = arith.constant 16 : i32
        %mul3A_257 = arith.muli %scan3A_255, %mul3A_256 : i32
        %add3A_258 = arith.constant 640 : i32
        %add3A_259 = arith.addi %add3A_258, %mul3A_257 : i32
        %get3A = arith.index_cast %add3A_259 : i32 to index
        %get3A_260 = tpu.vector_load %arg5[%get3A] {strides = array<i32>} : memref<1024xi32, #tpu.memory_space<vmem>>, vector<16xi32>,
        %ge3A = arith.constant 524800 : i32
        %ge3A_261 = vector.broadcast %ge3A : i32 to vector<16xi32>
        %ge3A_262 = arith.cmpi sge, %get3A_260, %ge3A_261 : vector<16xi32>
        %sub3A = arith.constant 524800 : i32
        %sub3A_263 = vector.broadcast %sub3A : i32 to vector<16xi32>
        %sub3A_264 = arith.subi %get3A_260, %sub3A_263 : vector<16xi32>
        %ge3A_265 = arith.constant 523776 : i32
        %ge3A_266 = vector.broadcast %ge3A_265 : i32 to vector<16xi32>
        %ge3A_267 = arith.cmpi sge, %get3A_260, %ge3A_266 : vector<16xi32>
        %jit3A_268 = arith.constant 0 : i32
        %broadcast_in_dim3A_269 = vector.broadcast %jit3A_268 : i32 to vector<16xi32>
        %select_n3A_270 = arith.select %ge3A_267, %broadcast_in_dim3A_269, %get3A_260 : vector<16xi1>, vector<16xi32>
        %select_n3A_271 = arith.select %ge3A_262, %sub3A_264, %select_n3A_270 : vector<16xi1>, vector<16xi32>
        %mul3A_272 = arith.constant 16 : i32
        %mul3A_273 = arith.muli %scan3A_255, %mul3A_272 : i32
        %swap3A = arith.constant 5 : i32
        %swap3A_274 = arith.index_cast %swap3A : i32 to index
        %swap3A_275 = arith.index_cast %mul3A_273 : i32 to index
        %swap3A_276 = tpu.vector_load %arg6[%swap3A_274, %swap3A_275] {strides = array<i32>} : memref<8x128xi32, #tpu.memory_space<vmem>>, vector<16xi32>,
        tpu.vector_store %arg6[%swap3A_274, %swap3A_275], %select_n3A_271 {strides = array<i32>} : memref<8x128xi32, #tpu.memory_space<vmem>>, vector<16xi32>,
      }
      %scan3A_59 = arith.constant 8 : i32
      %scan3A_60 = arith.constant 0 : i32
      %scan3A_61 = arith.constant 0 : i32
      %scan3A_62 = arith.constant 8 : i32
      %scan3A_63 = arith.addi %scan3A_61, %scan3A_62 : i32
      %scan3A_64 = arith.constant 1 : i32
      scf.for %scan3A_255 = %scan3A_61 to %scan3A_63 step %scan3A_64  : i32 {
        %mul3A_256 = arith.constant 16 : i32
        %mul3A_257 = arith.muli %scan3A_255, %mul3A_256 : i32
        %add3A_258 = arith.constant 768 : i32
        %add3A_259 = arith.addi %add3A_258, %mul3A_257 : i32
        %get3A = arith.index_cast %add3A_259 : i32 to index
        %get3A_260 = tpu.vector_load %arg5[%get3A] {strides = array<i32>} : memref<1024xi32, #tpu.memory_space<vmem>>, vector<16xi32>,
        %ge3A = arith.constant 524800 : i32
        %ge3A_261 = vector.broadcast %ge3A : i32 to vector<16xi32>
        %ge3A_262 = arith.cmpi sge, %get3A_260, %ge3A_261 : vector<16xi32>
        %sub3A = arith.constant 524800 : i32
        %sub3A_263 = vector.broadcast %sub3A : i32 to vector<16xi32>
        %sub3A_264 = arith.subi %get3A_260, %sub3A_263 : vector<16xi32>
        %ge3A_265 = arith.constant 523776 : i32
        %ge3A_266 = vector.broadcast %ge3A_265 : i32 to vector<16xi32>
        %ge3A_267 = arith.cmpi sge, %get3A_260, %ge3A_266 : vector<16xi32>
        %jit3A_268 = arith.constant 0 : i32
        %broadcast_in_dim3A_269 = vector.broadcast %jit3A_268 : i32 to vector<16xi32>
        %select_n3A_270 = arith.select %ge3A_267, %broadcast_in_dim3A_269, %get3A_260 : vector<16xi1>, vector<16xi32>
        %select_n3A_271 = arith.select %ge3A_262, %sub3A_264, %select_n3A_270 : vector<16xi1>, vector<16xi32>
        %mul3A_272 = arith.constant 16 : i32
        %mul3A_273 = arith.muli %scan3A_255, %mul3A_272 : i32
        %swap3A = arith.constant 6 : i32
        %swap3A_274 = arith.index_cast %swap3A : i32 to index
        %swap3A_275 = arith.index_cast %mul3A_273 : i32 to index
        %swap3A_276 = tpu.vector_load %arg6[%swap3A_274, %swap3A_275] {strides = array<i32>} : memref<8x128xi32, #tpu.memory_space<vmem>>, vector<16xi32>,
        tpu.vector_store %arg6[%swap3A_274, %swap3A_275], %select_n3A_271 {strides = array<i32>} : memref<8x128xi32, #tpu.memory_space<vmem>>, vector<16xi32>,
      }
      %scan3A_65 = arith.constant 8 : i32
      %scan3A_66 = arith.constant 0 : i32
      %scan3A_67 = arith.constant 0 : i32
      %scan3A_68 = arith.constant 8 : i32
      %scan3A_69 = arith.addi %scan3A_67, %scan3A_68 : i32
      %scan3A_70 = arith.constant 1 : i32
      scf.for %scan3A_255 = %scan3A_67 to %scan3A_69 step %scan3A_70  : i32 {
        %mul3A_256 = arith.constant 16 : i32
        %mul3A_257 = arith.muli %scan3A_255, %mul3A_256 : i32
        %add3A_258 = arith.constant 896 : i32
        %add3A_259 = arith.addi %add3A_258, %mul3A_257 : i32
        %get3A = arith.index_cast %add3A_259 : i32 to index
        %get3A_260 = tpu.vector_load %arg5[%get3A] {strides = array<i32>} : memref<1024xi32, #tpu.memory_space<vmem>>, vector<16xi32>,
        %ge3A = arith.constant 524800 : i32
        %ge3A_261 = vector.broadcast %ge3A : i32 to vector<16xi32>
        %ge3A_262 = arith.cmpi sge, %get3A_260, %ge3A_261 : vector<16xi32>
        %sub3A = arith.constant 524800 : i32
        %sub3A_263 = vector.broadcast %sub3A : i32 to vector<16xi32>
        %sub3A_264 = arith.subi %get3A_260, %sub3A_263 : vector<16xi32>
        %ge3A_265 = arith.constant 523776 : i32
        %ge3A_266 = vector.broadcast %ge3A_265 : i32 to vector<16xi32>
        %ge3A_267 = arith.cmpi sge, %get3A_260, %ge3A_266 : vector<16xi32>
        %jit3A_268 = arith.constant 0 : i32
        %broadcast_in_dim3A_269 = vector.broadcast %jit3A_268 : i32 to vector<16xi32>
        %select_n3A_270 = arith.select %ge3A_267, %broadcast_in_dim3A_269, %get3A_260 : vector<16xi1>, vector<16xi32>
        %select_n3A_271 = arith.select %ge3A_262, %sub3A_264, %select_n3A_270 : vector<16xi1>, vector<16xi32>
        %mul3A_272 = arith.constant 16 : i32
        %mul3A_273 = arith.muli %scan3A_255, %mul3A_272 : i32
        %swap3A = arith.constant 7 : i32
        %swap3A_274 = arith.index_cast %swap3A : i32 to index
        %swap3A_275 = arith.index_cast %mul3A_273 : i32 to index
        %swap3A_276 = tpu.vector_load %arg6[%swap3A_274, %swap3A_275] {strides = array<i32>} : memref<8x128xi32, #tpu.memory_space<vmem>>, vector<16xi32>,
        tpu.vector_store %arg6[%swap3A_274, %swap3A_275], %select_n3A_271 {strides = array<i32>} : memref<8x128xi32, #tpu.memory_space<vmem>>, vector<16xi32>,
      }
      %scan3A_71 = arith.constant 8 : i32
      %dma_start3A = arith.constant 0 : i32
      %dma_start3A_72 = arith.constant 0 : i32
      %dma_start3A_73 = arith.constant 0 : i32
      %dma_start3A_74 = tpu.memref_slice %arg7[%dma_start3A_72, %dma_start3A_73] : memref<1024x4xf32, #tpu.memory_space<vmem>> -> memref<128x4xf32, #tpu.memory_space<vmem>>
      %dma_start3A_75 = arith.constant 0 : i32
      %dma_start3A_76 = tpu.memref_slice %arg6[%dma_start3A, %dma_start3A_75] : memref<8x128xi32, #tpu.memory_space<vmem>> -> memref<1x128xi32, #tpu.memory_space<vmem>>
      %dma_start3A_77 = tpu.memref_squeeze %dma_start3A_76 : memref<1x128xi32, #tpu.memory_space<vmem>> -> memref<128xi32, #tpu.memory_space<vmem>>
      %dma_start3A_78 = arith.constant 0 : i32
      %dma_start3A_79 = arith.constant 0 : i32
      %dma_start3A_80 = tpu.memref_slice %arg2[%dma_start3A_78, %dma_start3A_79] : memref<523776x4xf32, #tpu.memory_space<hbm>> -> memref<523776x4xf32, #tpu.memory_space<hbm>>
      tpu.enqueue_indirect_dma source(%dma_start3A_80 : memref<523776x4xf32, #tpu.memory_space<hbm>>) target(%dma_start3A_74 : memref<128x4xf32, #tpu.memory_space<vmem>>) offsets(%dma_start3A_77 : memref<128xi32, #tpu.memory_space<vmem>>) semaphore(%arg8 : memref<!tpu.dma_semaphore, #tpu.memory_space<semaphore_mem>>)
      %dma_start3A_81 = arith.constant 1 : i32
      %dma_start3A_82 = arith.constant 128 : i32
      %dma_start3A_83 = arith.constant 0 : i32
      %dma_start3A_84 = tpu.memref_slice %arg7[%dma_start3A_82, %dma_start3A_83] : memref<1024x4xf32, #tpu.memory_space<vmem>> -> memref<128x4xf32, #tpu.memory_space<vmem>>
      %dma_start3A_85 = arith.constant 0 : i32
      %dma_start3A_86 = tpu.memref_slice %arg6[%dma_start3A_81, %dma_start3A_85] : memref<8x128xi32, #tpu.memory_space<vmem>> -> memref<1x128xi32, #tpu.memory_space<vmem>>
      %dma_start3A_87 = tpu.memref_squeeze %dma_start3A_86 : memref<1x128xi32, #tpu.memory_space<vmem>> -> memref<128xi32, #tpu.memory_space<vmem>>
      %dma_start3A_88 = arith.constant 0 : i32
      %dma_start3A_89 = arith.constant 0 : i32
      %dma_start3A_90 = tpu.memref_slice %arg2[%dma_start3A_88, %dma_start3A_89] : memref<523776x4xf32, #tpu.memory_space<hbm>> -> memref<523776x4xf32, #tpu.memory_space<hbm>>
      tpu.enqueue_indirect_dma source(%dma_start3A_90 : memref<523776x4xf32, #tpu.memory_space<hbm>>) target(%dma_start3A_84 : memref<128x4xf32, #tpu.memory_space<vmem>>) offsets(%dma_start3A_87 : memref<128xi32, #tpu.memory_space<vmem>>) semaphore(%arg8 : memref<!tpu.dma_semaphore, #tpu.memory_space<semaphore_mem>>)
      %dma_start3A_91 = arith.constant 2 : i32
      %dma_start3A_92 = arith.constant 256 : i32
      %dma_start3A_93 = arith.constant 0 : i32
      %dma_start3A_94 = tpu.memref_slice %arg7[%dma_start3A_92, %dma_start3A_93] : memref<1024x4xf32, #tpu.memory_space<vmem>> -> memref<128x4xf32, #tpu.memory_space<vmem>>
      %dma_start3A_95 = arith.constant 0 : i32
      %dma_start3A_96 = tpu.memref_slice %arg6[%dma_start3A_91, %dma_start3A_95] : memref<8x128xi32, #tpu.memory_space<vmem>> -> memref<1x128xi32, #tpu.memory_space<vmem>>
      %dma_start3A_97 = tpu.memref_squeeze %dma_start3A_96 : memref<1x128xi32, #tpu.memory_space<vmem>> -> memref<128xi32, #tpu.memory_space<vmem>>
      %dma_start3A_98 = arith.constant 0 : i32
      %dma_start3A_99 = arith.constant 0 : i32
      %dma_start3A_100 = tpu.memref_slice %arg2[%dma_start3A_98, %dma_start3A_99] : memref<523776x4xf32, #tpu.memory_space<hbm>> -> memref<523776x4xf32, #tpu.memory_space<hbm>>
      tpu.enqueue_indirect_dma source(%dma_start3A_100 : memref<523776x4xf32, #tpu.memory_space<hbm>>) target(%dma_start3A_94 : memref<128x4xf32, #tpu.memory_space<vmem>>) offsets(%dma_start3A_97 : memref<128xi32, #tpu.memory_space<vmem>>) semaphore(%arg8 : memref<!tpu.dma_semaphore, #tpu.memory_space<semaphore_mem>>)
      %dma_start3A_101 = arith.constant 3 : i32
      %dma_start3A_102 = arith.constant 384 : i32
      %dma_start3A_103 = arith.constant 0 : i32
      %dma_start3A_104 = tpu.memref_slice %arg7[%dma_start3A_102, %dma_start3A_103] : memref<1024x4xf32, #tpu.memory_space<vmem>> -> memref<128x4xf32, #tpu.memory_space<vmem>>
      %dma_start3A_105 = arith.constant 0 : i32
      %dma_start3A_106 = tpu.memref_slice %arg6[%dma_start3A_101, %dma_start3A_105] : memref<8x128xi32, #tpu.memory_space<vmem>> -> memref<1x128xi32, #tpu.memory_space<vmem>>
      %dma_start3A_107 = tpu.memref_squeeze %dma_start3A_106 : memref<1x128xi32, #tpu.memory_space<vmem>> -> memref<128xi32, #tpu.memory_space<vmem>>
      %dma_start3A_108 = arith.constant 0 : i32
      %dma_start3A_109 = arith.constant 0 : i32
      %dma_start3A_110 = tpu.memref_slice %arg2[%dma_start3A_108, %dma_start3A_109] : memref<523776x4xf32, #tpu.memory_space<hbm>> -> memref<523776x4xf32, #tpu.memory_space<hbm>>
      tpu.enqueue_indirect_dma source(%dma_start3A_110 : memref<523776x4xf32, #tpu.memory_space<hbm>>) target(%dma_start3A_104 : memref<128x4xf32, #tpu.memory_space<vmem>>) offsets(%dma_start3A_107 : memref<128xi32, #tpu.memory_space<vmem>>) semaphore(%arg8 : memref<!tpu.dma_semaphore, #tpu.memory_space<semaphore_mem>>)
      %dma_start3A_111 = arith.constant 4 : i32
      %dma_start3A_112 = arith.constant 512 : i32
      %dma_start3A_113 = arith.constant 0 : i32
      %dma_start3A_114 = tpu.memref_slice %arg7[%dma_start3A_112, %dma_start3A_113] : memref<1024x4xf32, #tpu.memory_space<vmem>> -> memref<128x4xf32, #tpu.memory_space<vmem>>
      %dma_start3A_115 = arith.constant 0 : i32
      %dma_start3A_116 = tpu.memref_slice %arg6[%dma_start3A_111, %dma_start3A_115] : memref<8x128xi32, #tpu.memory_space<vmem>> -> memref<1x128xi32, #tpu.memory_space<vmem>>
      %dma_start3A_117 = tpu.memref_squeeze %dma_start3A_116 : memref<1x128xi32, #tpu.memory_space<vmem>> -> memref<128xi32, #tpu.memory_space<vmem>>
      %dma_start3A_118 = arith.constant 0 : i32
      %dma_start3A_119 = arith.constant 0 : i32
      %dma_start3A_120 = tpu.memref_slice %arg2[%dma_start3A_118, %dma_start3A_119] : memref<523776x4xf32, #tpu.memory_space<hbm>> -> memref<523776x4xf32, #tpu.memory_space<hbm>>
      tpu.enqueue_indirect_dma source(%dma_start3A_120 : memref<523776x4xf32, #tpu.memory_space<hbm>>) target(%dma_start3A_114 : memref<128x4xf32, #tpu.memory_space<vmem>>) offsets(%dma_start3A_117 : memref<128xi32, #tpu.memory_space<vmem>>) semaphore(%arg8 : memref<!tpu.dma_semaphore, #tpu.memory_space<semaphore_mem>>)
      %dma_start3A_121 = arith.constant 5 : i32
      %dma_start3A_122 = arith.constant 640 : i32
      %dma_start3A_123 = arith.constant 0 : i32
      %dma_start3A_124 = tpu.memref_slice %arg7[%dma_start3A_122, %dma_start3A_123] : memref<1024x4xf32, #tpu.memory_space<vmem>> -> memref<128x4xf32, #tpu.memory_space<vmem>>
      %dma_start3A_125 = arith.constant 0 : i32
      %dma_start3A_126 = tpu.memref_slice %arg6[%dma_start3A_121, %dma_start3A_125] : memref<8x128xi32, #tpu.memory_space<vmem>> -> memref<1x128xi32, #tpu.memory_space<vmem>>
      %dma_start3A_127 = tpu.memref_squeeze %dma_start3A_126 : memref<1x128xi32, #tpu.memory_space<vmem>> -> memref<128xi32, #tpu.memory_space<vmem>>
      %dma_start3A_128 = arith.constant 0 : i32
      %dma_start3A_129 = arith.constant 0 : i32
      %dma_start3A_130 = tpu.memref_slice %arg2[%dma_start3A_128, %dma_start3A_129] : memref<523776x4xf32, #tpu.memory_space<hbm>> -> memref<523776x4xf32, #tpu.memory_space<hbm>>
      tpu.enqueue_indirect_dma source(%dma_start3A_130 : memref<523776x4xf32, #tpu.memory_space<hbm>>) target(%dma_start3A_124 : memref<128x4xf32, #tpu.memory_space<vmem>>) offsets(%dma_start3A_127 : memref<128xi32, #tpu.memory_space<vmem>>) semaphore(%arg8 : memref<!tpu.dma_semaphore, #tpu.memory_space<semaphore_mem>>)
      %dma_start3A_131 = arith.constant 6 : i32
      %dma_start3A_132 = arith.constant 768 : i32
      %dma_start3A_133 = arith.constant 0 : i32
      %dma_start3A_134 = tpu.memref_slice %arg7[%dma_start3A_132, %dma_start3A_133] : memref<1024x4xf32, #tpu.memory_space<vmem>> -> memref<128x4xf32, #tpu.memory_space<vmem>>
      %dma_start3A_135 = arith.constant 0 : i32
      %dma_start3A_136 = tpu.memref_slice %arg6[%dma_start3A_131, %dma_start3A_135] : memref<8x128xi32, #tpu.memory_space<vmem>> -> memref<1x128xi32, #tpu.memory_space<vmem>>
      %dma_start3A_137 = tpu.memref_squeeze %dma_start3A_136 : memref<1x128xi32, #tpu.memory_space<vmem>> -> memref<128xi32, #tpu.memory_space<vmem>>
      %dma_start3A_138 = arith.constant 0 : i32
      %dma_start3A_139 = arith.constant 0 : i32
      %dma_start3A_140 = tpu.memref_slice %arg2[%dma_start3A_138, %dma_start3A_139] : memref<523776x4xf32, #tpu.memory_space<hbm>> -> memref<523776x4xf32, #tpu.memory_space<hbm>>
      tpu.enqueue_indirect_dma source(%dma_start3A_140 : memref<523776x4xf32, #tpu.memory_space<hbm>>) target(%dma_start3A_134 : memref<128x4xf32, #tpu.memory_space<vmem>>) offsets(%dma_start3A_137 : memref<128xi32, #tpu.memory_space<vmem>>) semaphore(%arg8 : memref<!tpu.dma_semaphore, #tpu.memory_space<semaphore_mem>>)
      %dma_start3A_141 = arith.constant 7 : i32
      %dma_start3A_142 = arith.constant 896 : i32
      %dma_start3A_143 = arith.constant 0 : i32
      %dma_start3A_144 = tpu.memref_slice %arg7[%dma_start3A_142, %dma_start3A_143] : memref<1024x4xf32, #tpu.memory_space<vmem>> -> memref<128x4xf32, #tpu.memory_space<vmem>>
      %dma_start3A_145 = arith.constant 0 : i32
      %dma_start3A_146 = tpu.memref_slice %arg6[%dma_start3A_141, %dma_start3A_145] : memref<8x128xi32, #tpu.memory_space<vmem>> -> memref<1x128xi32, #tpu.memory_space<vmem>>
      %dma_start3A_147 = tpu.memref_squeeze %dma_start3A_146 : memref<1x128xi32, #tpu.memory_space<vmem>> -> memref<128xi32, #tpu.memory_space<vmem>>
      %dma_start3A_148 = arith.constant 0 : i32
      %dma_start3A_149 = arith.constant 0 : i32
      %dma_start3A_150 = tpu.memref_slice %arg2[%dma_start3A_148, %dma_start3A_149] : memref<523776x4xf32, #tpu.memory_space<hbm>> -> memref<523776x4xf32, #tpu.memory_space<hbm>>
      tpu.enqueue_indirect_dma source(%dma_start3A_150 : memref<523776x4xf32, #tpu.memory_space<hbm>>) target(%dma_start3A_144 : memref<128x4xf32, #tpu.memory_space<vmem>>) offsets(%dma_start3A_147 : memref<128xi32, #tpu.memory_space<vmem>>) semaphore(%arg8 : memref<!tpu.dma_semaphore, #tpu.memory_space<semaphore_mem>>)
      %dma_wait3A = arith.constant 0 : i32
      %dma_wait3A_151 = arith.constant 0 : i32
      %dma_wait3A_152 = arith.constant 0 : i32
      %dma_wait3A_153 = tpu.memref_slice %arg7[%dma_wait3A_151, %dma_wait3A_152] : memref<1024x4xf32, #tpu.memory_space<vmem>> -> memref<128x4xf32, #tpu.memory_space<vmem>>
      %dma_wait3A_154 = arith.constant 0 : i32
      %dma_wait3A_155 = tpu.memref_slice %arg6[%dma_wait3A, %dma_wait3A_154] : memref<8x128xi32, #tpu.memory_space<vmem>> -> memref<1x128xi32, #tpu.memory_space<vmem>>
      %dma_wait3A_156 = tpu.memref_squeeze %dma_wait3A_155 : memref<1x128xi32, #tpu.memory_space<vmem>> -> memref<128xi32, #tpu.memory_space<vmem>>
      %dma_wait3A_157 = arith.constant 0 : i32
      %dma_wait3A_158 = arith.constant 0 : i32
      %dma_wait3A_159 = tpu.memref_slice %arg2[%dma_wait3A_157, %dma_wait3A_158] : memref<523776x4xf32, #tpu.memory_space<hbm>> -> memref<523776x4xf32, #tpu.memory_space<hbm>>
      tpu.wait_indirect_dma semaphore(%arg8 : memref<!tpu.dma_semaphore, #tpu.memory_space<semaphore_mem>>) src(%dma_wait3A_159 : memref<523776x4xf32, #tpu.memory_space<hbm>>) dst(%dma_wait3A_153 : memref<128x4xf32, #tpu.memory_space<vmem>>)
      %dma_wait3A_160 = arith.constant 1 : i32
      %dma_wait3A_161 = arith.constant 128 : i32
      %dma_wait3A_162 = arith.constant 0 : i32
      %dma_wait3A_163 = tpu.memref_slice %arg7[%dma_wait3A_161, %dma_wait3A_162] : memref<1024x4xf32, #tpu.memory_space<vmem>> -> memref<128x4xf32, #tpu.memory_space<vmem>>
      %dma_wait3A_164 = arith.constant 0 : i32
      %dma_wait3A_165 = tpu.memref_slice %arg6[%dma_wait3A_160, %dma_wait3A_164] : memref<8x128xi32, #tpu.memory_space<vmem>> -> memref<1x128xi32, #tpu.memory_space<vmem>>
      %dma_wait3A_166 = tpu.memref_squeeze %dma_wait3A_165 : memref<1x128xi32, #tpu.memory_space<vmem>> -> memref<128xi32, #tpu.memory_space<vmem>>
      %dma_wait3A_167 = arith.constant 0 : i32
      %dma_wait3A_168 = arith.constant 0 : i32
      %dma_wait3A_169 = tpu.memref_slice %arg2[%dma_wait3A_167, %dma_wait3A_168] : memref<523776x4xf32, #tpu.memory_space<hbm>> -> memref<523776x4xf32, #tpu.memory_space<hbm>>
      tpu.wait_indirect_dma semaphore(%arg8 : memref<!tpu.dma_semaphore, #tpu.memory_space<semaphore_mem>>) src(%dma_wait3A_169 : memref<523776x4xf32, #tpu.memory_space<hbm>>) dst(%dma_wait3A_163 : memref<128x4xf32, #tpu.memory_space<vmem>>)
      %dma_wait3A_170 = arith.constant 2 : i32
      %dma_wait3A_171 = arith.constant 256 : i32
      %dma_wait3A_172 = arith.constant 0 : i32
      %dma_wait3A_173 = tpu.memref_slice %arg7[%dma_wait3A_171, %dma_wait3A_172] : memref<1024x4xf32, #tpu.memory_space<vmem>> -> memref<128x4xf32, #tpu.memory_space<vmem>>
      %dma_wait3A_174 = arith.constant 0 : i32
      %dma_wait3A_175 = tpu.memref_slice %arg6[%dma_wait3A_170, %dma_wait3A_174] : memref<8x128xi32, #tpu.memory_space<vmem>> -> memref<1x128xi32, #tpu.memory_space<vmem>>
      %dma_wait3A_176 = tpu.memref_squeeze %dma_wait3A_175 : memref<1x128xi32, #tpu.memory_space<vmem>> -> memref<128xi32, #tpu.memory_space<vmem>>
      %dma_wait3A_177 = arith.constant 0 : i32
      %dma_wait3A_178 = arith.constant 0 : i32
      %dma_wait3A_179 = tpu.memref_slice %arg2[%dma_wait3A_177, %dma_wait3A_178] : memref<523776x4xf32, #tpu.memory_space<hbm>> -> memref<523776x4xf32, #tpu.memory_space<hbm>>
      tpu.wait_indirect_dma semaphore(%arg8 : memref<!tpu.dma_semaphore, #tpu.memory_space<semaphore_mem>>) src(%dma_wait3A_179 : memref<523776x4xf32, #tpu.memory_space<hbm>>) dst(%dma_wait3A_173 : memref<128x4xf32, #tpu.memory_space<vmem>>)
      %dma_wait3A_180 = arith.constant 3 : i32
      %dma_wait3A_181 = arith.constant 384 : i32
      %dma_wait3A_182 = arith.constant 0 : i32
      %dma_wait3A_183 = tpu.memref_slice %arg7[%dma_wait3A_181, %dma_wait3A_182] : memref<1024x4xf32, #tpu.memory_space<vmem>> -> memref<128x4xf32, #tpu.memory_space<vmem>>
      %dma_wait3A_184 = arith.constant 0 : i32
      %dma_wait3A_185 = tpu.memref_slice %arg6[%dma_wait3A_180, %dma_wait3A_184] : memref<8x128xi32, #tpu.memory_space<vmem>> -> memref<1x128xi32, #tpu.memory_space<vmem>>
      %dma_wait3A_186 = tpu.memref_squeeze %dma_wait3A_185 : memref<1x128xi32, #tpu.memory_space<vmem>> -> memref<128xi32, #tpu.memory_space<vmem>>
      %dma_wait3A_187 = arith.constant 0 : i32
      %dma_wait3A_188 = arith.constant 0 : i32
      %dma_wait3A_189 = tpu.memref_slice %arg2[%dma_wait3A_187, %dma_wait3A_188] : memref<523776x4xf32, #tpu.memory_space<hbm>> -> memref<523776x4xf32, #tpu.memory_space<hbm>>
      tpu.wait_indirect_dma semaphore(%arg8 : memref<!tpu.dma_semaphore, #tpu.memory_space<semaphore_mem>>) src(%dma_wait3A_189 : memref<523776x4xf32, #tpu.memory_space<hbm>>) dst(%dma_wait3A_183 : memref<128x4xf32, #tpu.memory_space<vmem>>)
      %dma_wait3A_190 = arith.constant 4 : i32
      %dma_wait3A_191 = arith.constant 512 : i32
      %dma_wait3A_192 = arith.constant 0 : i32
      %dma_wait3A_193 = tpu.memref_slice %arg7[%dma_wait3A_191, %dma_wait3A_192] : memref<1024x4xf32, #tpu.memory_space<vmem>> -> memref<128x4xf32, #tpu.memory_space<vmem>>
      %dma_wait3A_194 = arith.constant 0 : i32
      %dma_wait3A_195 = tpu.memref_slice %arg6[%dma_wait3A_190, %dma_wait3A_194] : memref<8x128xi32, #tpu.memory_space<vmem>> -> memref<1x128xi32, #tpu.memory_space<vmem>>
      %dma_wait3A_196 = tpu.memref_squeeze %dma_wait3A_195 : memref<1x128xi32, #tpu.memory_space<vmem>> -> memref<128xi32, #tpu.memory_space<vmem>>
      %dma_wait3A_197 = arith.constant 0 : i32
      %dma_wait3A_198 = arith.constant 0 : i32
      %dma_wait3A_199 = tpu.memref_slice %arg2[%dma_wait3A_197, %dma_wait3A_198] : memref<523776x4xf32, #tpu.memory_space<hbm>> -> memref<523776x4xf32, #tpu.memory_space<hbm>>
      tpu.wait_indirect_dma semaphore(%arg8 : memref<!tpu.dma_semaphore, #tpu.memory_space<semaphore_mem>>) src(%dma_wait3A_199 : memref<523776x4xf32, #tpu.memory_space<hbm>>) dst(%dma_wait3A_193 : memref<128x4xf32, #tpu.memory_space<vmem>>)
      %dma_wait3A_200 = arith.constant 5 : i32
      %dma_wait3A_201 = arith.constant 640 : i32
      %dma_wait3A_202 = arith.constant 0 : i32
      %dma_wait3A_203 = tpu.memref_slice %arg7[%dma_wait3A_201, %dma_wait3A_202] : memref<1024x4xf32, #tpu.memory_space<vmem>> -> memref<128x4xf32, #tpu.memory_space<vmem>>
      %dma_wait3A_204 = arith.constant 0 : i32
      %dma_wait3A_205 = tpu.memref_slice %arg6[%dma_wait3A_200, %dma_wait3A_204] : memref<8x128xi32, #tpu.memory_space<vmem>> -> memref<1x128xi32, #tpu.memory_space<vmem>>
      %dma_wait3A_206 = tpu.memref_squeeze %dma_wait3A_205 : memref<1x128xi32, #tpu.memory_space<vmem>> -> memref<128xi32, #tpu.memory_space<vmem>>
      %dma_wait3A_207 = arith.constant 0 : i32
      %dma_wait3A_208 = arith.constant 0 : i32
      %dma_wait3A_209 = tpu.memref_slice %arg2[%dma_wait3A_207, %dma_wait3A_208] : memref<523776x4xf32, #tpu.memory_space<hbm>> -> memref<523776x4xf32, #tpu.memory_space<hbm>>
      tpu.wait_indirect_dma semaphore(%arg8 : memref<!tpu.dma_semaphore, #tpu.memory_space<semaphore_mem>>) src(%dma_wait3A_209 : memref<523776x4xf32, #tpu.memory_space<hbm>>) dst(%dma_wait3A_203 : memref<128x4xf32, #tpu.memory_space<vmem>>)
      %dma_wait3A_210 = arith.constant 6 : i32
      %dma_wait3A_211 = arith.constant 768 : i32
      %dma_wait3A_212 = arith.constant 0 : i32
      %dma_wait3A_213 = tpu.memref_slice %arg7[%dma_wait3A_211, %dma_wait3A_212] : memref<1024x4xf32, #tpu.memory_space<vmem>> -> memref<128x4xf32, #tpu.memory_space<vmem>>
      %dma_wait3A_214 = arith.constant 0 : i32
      %dma_wait3A_215 = tpu.memref_slice %arg6[%dma_wait3A_210, %dma_wait3A_214] : memref<8x128xi32, #tpu.memory_space<vmem>> -> memref<1x128xi32, #tpu.memory_space<vmem>>
      %dma_wait3A_216 = tpu.memref_squeeze %dma_wait3A_215 : memref<1x128xi32, #tpu.memory_space<vmem>> -> memref<128xi32, #tpu.memory_space<vmem>>
      %dma_wait3A_217 = arith.constant 0 : i32
      %dma_wait3A_218 = arith.constant 0 : i32
      %dma_wait3A_219 = tpu.memref_slice %arg2[%dma_wait3A_217, %dma_wait3A_218] : memref<523776x4xf32, #tpu.memory_space<hbm>> -> memref<523776x4xf32, #tpu.memory_space<hbm>>
      tpu.wait_indirect_dma semaphore(%arg8 : memref<!tpu.dma_semaphore, #tpu.memory_space<semaphore_mem>>) src(%dma_wait3A_219 : memref<523776x4xf32, #tpu.memory_space<hbm>>) dst(%dma_wait3A_213 : memref<128x4xf32, #tpu.memory_space<vmem>>)
      %dma_wait3A_220 = arith.constant 7 : i32
      %dma_wait3A_221 = arith.constant 896 : i32
      %dma_wait3A_222 = arith.constant 0 : i32
      %dma_wait3A_223 = tpu.memref_slice %arg7[%dma_wait3A_221, %dma_wait3A_222] : memref<1024x4xf32, #tpu.memory_space<vmem>> -> memref<128x4xf32, #tpu.memory_space<vmem>>
      %dma_wait3A_224 = arith.constant 0 : i32
      %dma_wait3A_225 = tpu.memref_slice %arg6[%dma_wait3A_220, %dma_wait3A_224] : memref<8x128xi32, #tpu.memory_space<vmem>> -> memref<1x128xi32, #tpu.memory_space<vmem>>
      %dma_wait3A_226 = tpu.memref_squeeze %dma_wait3A_225 : memref<1x128xi32, #tpu.memory_space<vmem>> -> memref<128xi32, #tpu.memory_space<vmem>>
      %dma_wait3A_227 = arith.constant 0 : i32
      %dma_wait3A_228 = arith.constant 0 : i32
      %dma_wait3A_229 = tpu.memref_slice %arg2[%dma_wait3A_227, %dma_wait3A_228] : memref<523776x4xf32, #tpu.memory_space<hbm>> -> memref<523776x4xf32, #tpu.memory_space<hbm>>
      tpu.wait_indirect_dma semaphore(%arg8 : memref<!tpu.dma_semaphore, #tpu.memory_space<semaphore_mem>>) src(%dma_wait3A_229 : memref<523776x4xf32, #tpu.memory_space<hbm>>) dst(%dma_wait3A_223 : memref<128x4xf32, #tpu.memory_space<vmem>>)
      %shift_right_arithmetic3A_230 = arith.constant 2 : i32
      %shift_right_arithmetic3A_231 = arith.shrsi %add3A_21, %shift_right_arithmetic3A_230 : i32
      %while3A = arith.constant 0 : i32
      %while3A_232 = arith.constant 0 : i32
      %while3A_233 = arith.subi %shift_right_arithmetic3A_231, %while3A_232 : i32
      %while3A_234 = arith.addi %while3A_232, %while3A_233 : i32
      %while3A_235 = arith.constant 1 : i32
      %while3A_236 = arith.divsi %while3A_233, %while3A_235 : i32
      %while3A_237 = arith.muli %while3A_236, %while3A_235 : i32
      %while3A_238 = arith.addi %while3A_232, %while3A_237 : i32
      %while3A_239 = arith.constant 1 : i32
      scf.for %while3A_255 = %while3A_232 to %while3A_238 step %while3A_239  : i32 {
        %mul3A_256 = arith.constant 4 : i32
        %mul3A_257 = arith.muli %while3A_255, %mul3A_256 : i32
        %add3A_258 = vector.broadcast %mul3A_257 : i32 to vector<16xi32>
        %add3A_259 = arith.addi %add3A_258, %shift_right_arithmetic3A_4 : vector<16xi32>
        %gather3A_260 = tpu.vector_load_idx %arg7[%add3A_259, %select_n3A_12] : memref<1024x4xf32, #tpu.memory_space<vmem>>[vector<16xi32>, vector<16xi32>], vector<16xf32>,
        tpu.vector_store_idx %arg7[%add3A_259, %and3A_2], %gather3A_260 : memref<1024x4xf32, #tpu.memory_space<vmem>>[vector<16xi32>, vector<16xi32>], vector<16xf32>,
      }
      %while3A_240 = arith.constant 1 : i32
      scf.for %while3A_255 = %while3A_238 to %while3A_234 step %while3A_240  : i32 {
        %mul3A_256 = arith.constant 4 : i32
        %mul3A_257 = arith.muli %while3A_255, %mul3A_256 : i32
        %add3A_258 = vector.broadcast %mul3A_257 : i32 to vector<16xi32>
        %add3A_259 = arith.addi %add3A_258, %shift_right_arithmetic3A_4 : vector<16xi32>
        %gather3A_260 = tpu.vector_load_idx %arg7[%add3A_259, %select_n3A_12] : memref<1024x4xf32, #tpu.memory_space<vmem>>[vector<16xi32>, vector<16xi32>], vector<16xf32>,
        tpu.vector_store_idx %arg7[%add3A_259, %and3A_2], %gather3A_260 : memref<1024x4xf32, #tpu.memory_space<vmem>>[vector<16xi32>, vector<16xi32>], vector<16xf32>,
      }
      %shift_right_arithmetic3A_241 = arith.constant 2 : i32
      %shift_right_arithmetic3A_242 = arith.shrsi %add3A_21, %shift_right_arithmetic3A_241 : i32
      %mul3A_243 = arith.constant 4 : i32
      %mul3A_244 = arith.muli %shift_right_arithmetic3A_242, %mul3A_243 : i32
      %add3A_245 = vector.broadcast %mul3A_244 : i32 to vector<16xi32>
      %add3A_246 = arith.addi %add3A_245, %shift_right_arithmetic3A_4 : vector<16xi32>
      %gather3A = tpu.vector_load_idx %arg7[%add3A_246, %select_n3A_12] : memref<1024x4xf32, #tpu.memory_space<vmem>>[vector<16xi32>, vector<16xi32>], vector<16xf32>,
      %eq3A_247 = vector.broadcast %add3A_21 : i32 to vector<16xi32>
      %eq3A_248 = arith.cmpi eq, %add3A_246, %eq3A_247 : vector<16xi32>
      %jit3A_249 = arith.constant 0.000000e+00 : f32
      %broadcast_in_dim3A_250 = vector.broadcast %jit3A_249 : f32 to vector<16xf32>
      %select_n3A_251 = arith.select %eq3A_248, %broadcast_in_dim3A_250, %gather3A : vector<16xi1>, vector<16xf32>
      %le3A = vector.broadcast %add3A_21 : i32 to vector<16xi32>
      %le3A_252 = arith.cmpi sle, %add3A_246, %le3A : vector<16xi32>
      tpu.vector_store_idx %arg7[%add3A_246, %and3A_2], %select_n3A_251 masked %le3A_252 : memref<1024x4xf32, #tpu.memory_space<vmem>>[vector<16xi32>, vector<16xi32>], vector<16xf32>, vector<16xi1>
      %mul3A_253 = arith.constant 1024 : i32
      %mul3A_254 = arith.muli %add3A_21, %mul3A_253 : i32
      "tpu.region"() ({
        %run_scoped3A = tpu.sem_alloc : memref<!tpu.dma_semaphore, #tpu.memory_space<semaphore_mem>>
        %dma_start3A_255 = arith.constant 0 : i32
        %dma_start3A_256 = tpu.memref_slice %arg4[%mul3A_254, %dma_start3A_255] : memref<1048576x4xf32, #tpu.memory_space<hbm>> -> memref<1024x4xf32, #tpu.memory_space<hbm>>
        %dma_start3A_257 = arith.constant 0 : i32
        %dma_start3A_258 = tpu.memref_slice %arg4[%mul3A_254, %dma_start3A_257] : memref<1048576x4xf32, #tpu.memory_space<hbm>> -> memref<1024x4xf32, #tpu.memory_space<hbm>>
        tpu.enqueue_dma source(%arg7 : memref<1024x4xf32, #tpu.memory_space<vmem>>) target(%dma_start3A_258 : memref<1024x4xf32, #tpu.memory_space<hbm>>) target_semaphore(%run_scoped3A : memref<!tpu.dma_semaphore, #tpu.memory_space<semaphore_mem>>)
        %dma_wait3A_259 = arith.constant 0 : i32
        %dma_wait3A_260 = tpu.memref_slice %arg4[%mul3A_254, %dma_wait3A_259] : memref<1048576x4xf32, #tpu.memory_space<hbm>> -> memref<1024x4xf32, #tpu.memory_space<hbm>>
        %dma_wait3A_261 = arith.constant 0 : i32
        %dma_wait3A_262 = tpu.memref_slice %arg4[%mul3A_254, %dma_wait3A_261] : memref<1048576x4xf32, #tpu.memory_space<hbm>> -> memref<1024x4xf32, #tpu.memory_space<hbm>>
        tpu.wait_dma2 semaphore(%run_scoped3A : memref<!tpu.dma_semaphore, #tpu.memory_space<semaphore_mem>>) src(%arg7 : memref<1024x4xf32, #tpu.memory_space<vmem>>) dst(%dma_wait3A_262 : memref<1024x4xf32, #tpu.memory_space<hbm>>)
        tpu.yield
      }) : () -> ()
    }
    %scan3A_17 = arith.constant 32 : i32
    return
  }
}

</mosaic_0001>

<sc_bundles>
// kernel: kernel.3.cloned.1.call-start
scs
__scs_entry_jumppad:
0x0: {  	(pc) =	sbr.rel $0x88, $3  }
0x1: {  	(tag) =	ssettag $0x0;
	lr =	simm.s32 $0x1  }
0x2: {  	[smem:$0x3F9F] =	sst lr;
	_ =	strace $0xD0000000  }
0x3: {  	_ = 	snop  }
0x4: {  	_ = 	snop  }
0x5: {  	_ = 	snop  }
0x6: {  	_ = 	snop  }
0x7: {  	_ = 	snop  }
__scs_overlays_trampoline_lowered:
0x8: {  	[smem:$0x3FAE] =	sst s0  }
0x9: {  	[smem:$0x3FAF] =	sst s1  }
0xa: {  	[smem:$0x3FB0] =	sst s2  }
0xb: {  	[smem:$0x3FB1] =	sst s3  }
0xc: {  	[smem:$0x3FB2] =	sst s4  }
0xd: {  	[smem:$0x3FB3] =	sst s5  }
0xe: {  	[smem:$0x3FB4] =	sst s6  }
0xf: {  	[smem:$0x3FB5] =	sst s7  }
0x10: {  	[smem:$0x3FB6] =	sst s8  }
0x11: {  	[smem:$0x3FB7] =	sst s9;
	s0 =	simm.s32 @!p0 $0x0  }
0x12: {  	s1 =	sld [smem:$0x3F9D];
	s0 =	simm.s32 @p0 $0x1  }
0x13: {  	[smem:$0x3FB8] =	sst s0;
	s0 =	simm.s32 @!p1 $0x0  }
0x14: {  	s2 =	sld [smem:$0x3F9C];
	s0 =	simm.s32 @p1 $0x1  }
0x15: {  	[smem:$0x3FB9] =	sst s0;
	s0 =	simm.s32 @!p2 $0x0  }
0x16: {  	s3 =	sld [smem:$0x3FDB];
	s0 =	simm.s32 @p2 $0x1  }
0x17: {  	s4 =	simm.s32 $0x1BF5;
	[smem:$0x3FBB] =	sst s0  }
0x18: {  	s0 =	sld [smem:$0x3F9E];
	_ =	swait.ge [sflag:s4], $0x0  }
0x19: {  	s7 =	sld [smem:$0x3F9F]  }
0x1a: {  	s8 =	sadd.s32 $0xFFFFE003, lr  }
0x1b: {  	s9 =	sadd.s32 $0xFFFFFEF7, lr;
	s5 =	simm.s32 $0xFFFFFFFF;
	p2 =	slt.u32 s8, $0xFFFFF086  }
0x1c: {  	p1 =	slt.u32 s9, $0xF7A;
	s5 =	simm.s32 @!p2 $0x0  }
0x1d: {  	s5 =	simm.s32 @p1 $0x1;
	p0 =	seq.s32 s7, s2  }
0x1e: {  	s7 =	smul.u32 @!p0 $0xF7A, s2;
	p2 =	seq.s32 @!p0 s5, $0x0  }
0x1f: {  	s9 =	smul.u32 $0xF7A, s1;
	s8 =	simm.s32 @!p0 $0x1BF5;
	p2 =	por !p2, p0  }
0x20: {  	[sflag:s8] =	ssyncset.s32 @!p0 $0xFFFFF086;
	s6 =	sadd.s32 @!p0 s3, s7;
	s7 =	simm.s32 @!p0 $0x108  }
0x21: {  	s3 =	sadd.s32 s3, s9;
	s6 =	sadd.s32 @!p0 $0x88, s6;
	s7 =	simm.s32 @p2 $0x1082  }
0x22: {  	[simem:s7], [sflag:s8] =	dma.local @!p0 [hbm:s6], $0xF7A  }
0x23: {  	s9 =	sor.u32 $0xD0000000, s2;
	s6 =	simm.s32 $0x108;
	_ =	swait.ge @!p0 [sflag:s8], $0x0  }
0x24: {  	s3 =	sadd.s32 $0x88, s3;
	s6 =	simm.s32 @!p1 $0x1082;
	[sflag:s4] =	ssyncset.s32 $0xFFFFF086  }
0x25: {  	[simem:s6], [sflag:s4] =	dma.local [hbm:s3], $0xF7A  }
0x26: {  	[smem:$0x3F9F] =	sst s1;
	(tag) =	ssettag s2;
	_ =	strace s9  }
0x27: {  	s1 =	sld [smem:$0x3FAF]  }
0x28: {  	s2 =	sld [smem:$0x3FB0]  }
0x29: {  	s4 =	sld [smem:$0x3FB2]  }
0x2a: {  	p0 =	seq.s32 s5, $0x0;
	s5 =	sld [smem:$0x3FB3]  }
0x2b: {  	s6 =	sld [smem:$0x3FB4]  }
0x2c: {  	s7 =	sld [smem:$0x3FB5]  }
0x2d: {  	s3 =	simm.s32 $0x108;
	s8 =	sld [smem:$0x3FB6]  }
0x2e: {  	s3 =	simm.s32 @!p0 $0x1082;
	s9 =	sld [smem:$0x3FB7]  }
0x2f: {  	lr =	sadd.s32 s0, s3;
	s0 =	sld [smem:$0x3FAE]  }
0x30: {  	s3 =	sld [smem:$0x3FB1]  }
0x31: {  	[smem:$0x3FBA] =	sst s10  }
0x32: {  	s10 =	sld [smem:$0x3FB8];
	_ =	sdelay $0x3  }
0x33: {  	p0 =	seq.s32 s10, $0x1;
	s10 =	sld [smem:$0x3FBA];
	_ =	sdelay $0x3  }
0x34: {  	[smem:$0x3FBA] =	sst s10  }
0x35: {  	s10 =	sld [smem:$0x3FB9];
	_ =	sdelay $0x3  }
0x36: {  	p1 =	seq.s32 s10, $0x1;
	s10 =	sld [smem:$0x3FBA];
	_ =	sdelay $0x3  }
0x37: {  	[smem:$0x3FBA] =	sst s10  }
0x38: {  	s10 =	sld [smem:$0x3FBB]  }
0x39: {  	_ = 	snop;
	(pc) =	sbr.ind lr, $3  }
0x3a: {  	_ = 	snop  }
0x3b: {  	_ = 	snop  }
0x3c: {  	p2 =	seq.s32 s10, $0x1;
	s10 =	sld [smem:$0x3FBA]  }
0x3d: {  	_ =	shalt  }
0x3e: {  	_ =	shalt  }
0x3f: {  	_ =	shalt  }
0x40: {  	_ =	shalt  }
0x41: {  	_ =	shalt  }
0x42: {  	_ =	shalt  }
0x43: {  	_ =	shalt  }
0x44: {  	_ =	shalt  }
0x45: {  	_ =	shalt  }
0x46: {  	_ =	shalt  }
0x47: {  	_ =	shalt  }
0x48: {  	_ =	shalt  }
0x49: {  	_ =	shalt  }
0x4a: {  	_ =	shalt  }
0x4b: {  	_ =	shalt  }
0x4c: {  	_ =	shalt  }
0x4d: {  	_ =	shalt  }
0x4e: {  	_ =	shalt  }
0x4f: {  	_ =	shalt  }
0x50: {  	_ =	shalt  }
0x51: {  	_ =	shalt  }
0x52: {  	_ =	shalt  }
0x53: {  	_ =	shalt  }
0x54: {  	_ =	shalt  }
0x55: {  	_ =	shalt  }
0x56: {  	_ =	shalt  }
0x57: {  	_ =	shalt  }
0x58: {  	_ =	shalt  }
0x59: {  	_ =	shalt  }
0x5a: {  	_ =	shalt  }
0x5b: {  	_ =	shalt  }
0x5c: {  	_ =	shalt  }
0x5d: {  	_ =	shalt  }
0x5e: {  	_ =	shalt  }
0x5f: {  	_ =	shalt  }
0x60: {  	_ =	shalt  }
0x61: {  	_ =	shalt  }
0x62: {  	_ =	shalt  }
0x63: {  	_ =	shalt  }
0x64: {  	_ =	shalt  }
0x65: {  	_ =	shalt  }
0x66: {  	_ =	shalt  }
0x67: {  	_ =	shalt  }
0x68: {  	_ =	shalt  }
0x69: {  	_ =	shalt  }
0x6a: {  	_ =	shalt  }
0x6b: {  	_ =	shalt  }
0x6c: {  	_ =	shalt  }
0x6d: {  	_ =	shalt  }
0x6e: {  	_ =	shalt  }
0x6f: {  	_ =	shalt  }
0x70: {  	_ =	shalt  }
0x71: {  	_ =	shalt  }
0x72: {  	_ =	shalt  }
0x73: {  	_ =	shalt  }
0x74: {  	_ =	shalt  }
0x75: {  	_ =	shalt  }
0x76: {  	_ =	shalt  }
0x77: {  	_ =	shalt  }
0x78: {  	_ =	shalt  }
0x79: {  	_ =	shalt  }
0x7a: {  	_ =	shalt  }
0x7b: {  	_ =	shalt  }
0x7c: {  	_ =	shalt  }
0x7d: {  	_ =	shalt  }
0x7e: {  	_ =	shalt  }
0x7f: {  	_ =	shalt  }
0x80: {  	_ =	shalt  }
0x81: {  	_ =	shalt  }
0x82: {  	_ =	shalt  }
0x83: {  	_ =	shalt  }
0x84: {  	_ =	shalt  }
0x85: {  	_ =	shalt  }
0x86: {  	_ =	shalt  }
0x87: {  	_ =	shalt  }
.Lfunc_end0:
.L_simem_size_0:
called_computation_lowered:
.L_overlay_start_0:
0x88: {  	s2 =	sld [smem:$0x3FD9]  }
0x89: {  	s3 =	sld [smem:$0x3FFE];
	_ =	sdelay $0x1  }
0x8a: {  	s1 =	srdreg.scid  }
0x8b: {  	s0 =	sand.u32 $0x1, s1  }
0x8c: {  	s17 =	sshll.u32 s0, $0xA;
	s2 =	sadd.s32 s3, s2  }
0x8d: {  	s2 =	sadd.s32 s2, s17  }
0x8e: {  	[smem:$0x3FC6] =	sst s2  }
0x8f: {  	_ = 	snop  }
0x90: {  	s2 =	sld [smem:$0x3FC8]  }
0x91: {  	s18 =	sld [smem:$0x3FD0];
	(tm) =	ssettm $0x1  }
0x92: {  	s4 =	sld [smem:$0x3FFB];
	_ =	sdelay $0x3  }
0x93: {  	_ =	strace s4  }
0x94: {  	s4 =	sld [smem:$0x3FFC];
	_ =	sdelay $0x3  }
0x95: {  	_ =	strace s4  }
0x96: {  	s4 =	sld [smem:$0x3FFD];
	_ =	sdelay $0x3  }
0x97: {  	_ =	strace s4  }
0x98: {  	_ =	strace $0x8FFFFFFF  }
0x99: {  	s19 =	sld [smem:$0x3FDB];
	_ =	sdelay $0x1  }
0x9a: {  	s5 =	simm.s32 $_scs_section_size  }
0x9b: {  	s6 =	simm.s32 $_size__tile_overlayer_lowered;
	s7 =	simm.s32 $_tile_overlayer_lowered  }
0x9c: {  	s22 =	simm.s32 $0x1BFF;
	s21 =	sshll.u32 s7, $0x1;
	s4 =	sadd.s32 s5, s19  }
0x9d: {  	s8 =	simm.s32 $0x0;
	s20 =	sshll.u32 s6, $0x1;
	s6 =	sadd.s32 s21, s4  }
0x9e: {  	[timem:s8], [sflag:s22] =	dma.local [hbm:s6], s20  }
0x9f: {  	_ =	swait.ge [sflag:s22], s20  }
0xa0: {  	s5 =	ssub.s32 $0x0, s20;
	[sflag:s22] =	ssyncset.done $0x0  }
0xa1: {  	[sflag:s22] =	ssyncadd.s32 s5;
	_ =	sdelay $0x1  }
0xa2: {  	s23 =	simm.s32 $0x1B8B  }
0xa3: {  	_ =	swait.ge [sflag:s23], $0x1  }
0xa4: {  	[sflag:s23] =	ssyncset.done $0x0  }
0xa5: {  	s25 =	simm.s32 $0x1B8E;
	s24 =	sld [smem:$0x3FFE];
	[sflag:s23] =	ssyncadd.s32 $0xFFFFFFFF  }
0xa6: {  	s26 =	simm.s32 $execute0_lowered;
	[smem:$0x3FD2] =	sst s25  }
0xa7: {  	s6 =	sshll.u32 s26, $0x1;
	_ =	strace $0x80000046;
	[dreg:$0x1] =	wrdreg $0xFFFFFFFF  }
0xa8: {  	s28 =	simm.s32 $_size_execute0_lowered;
	s4 =	sadd.s32 s4, s6;
	[dreg:$0x0] =	wrdreg $0x0  }
0xa9: {  	s6 =	sshll.u32 s28, $0x1;
	[dreg:$0x2] =	wrdreg s4  }
0xaa: {  	[dreg:$0x3] =	wrdreg s6  }
0xab: {  	[dreg:$0x4] =	wrdreg $0xC0  }
0xac: {  	_ =	task [dreg:s8], $0x5FFFF  }
0xad: {  	[dreg:$0x1] =	wrdreg $0xFFFFFFFF  }
0xae: {  	[dreg:$0x0] =	wrdreg $0x60  }
0xaf: {  	[dreg:$0x2] =	wrdreg s18  }
0xb0: {  	[dreg:$0x3] =	wrdreg s2  }
0xb1: {  	[dreg:$0x4] =	wrdreg s24  }
0xb2: {  	[dreg:$0x5] =	wrdreg $0x9  }
0xb3: {  	_ =	task.clear_ibuf [dreg:s8], $0x6FFFF;
	_ =	strace $0x90000046  }
0xb4: {  	s29 =	simm.s32 $0x9;
	_ =	strace $0x80000048  }
0xb5: {  	_ =	swait.ge [sflag:s29], $0x1  }
0xb6: {  	[sflag:s29] =	ssyncadd.s32 $0xFFFFFFFF  }
0xb7: {  	_ =	strace $0x90000048  }
0xb8: {  	_ =	sfence  }
0xb9: {  	s30 =	sld [smem:$0x0];
	_ =	sdelay $0x2  }
0xba: {  	s31 =	sshll.u32 s1, $0xD;
	s1 =	sshrl.u32 s1, $0x2  }
0xbb: {  	s3 =	sand.u32 $0x4000, s31;
	s1 =	sadd.s32 s1, s30  }
0xbc: {  	s0 =	sor.u32 s3, s0;
	s1 =	sshll.u32 s1, $0x11  }
0xbd: {  	s0 =	sor.u32 s1, s0  }
0xbe: {  	s0 =	sadd.s32 $0x8F2B, s0  }
0xbf: {  	[sflag:s0] =	ssyncadd.remote.s32 $0x1  }
0xc0: {  	_ =	sfence.sel $0xFFFF  }
0xc1: {  	[dreg:$0x0] =	wrdreg $0xFFFFFFFF;
	(pc) =	sbr.abs _section_cstart, $3  }
0xc2: {  	[dreg:$0x1] =	wrdreg $0xFFFFFFFF  }
0xc3: {  	_ =	task.clear_ibuf [dreg:s8], $0x2FFFF;
	_ =	strace $0x9FFFFFFF  }
0xc4: {  	(tm) =	ssettm $0x7FFFFFFF  }
0xc5: {  	_ =	shalt  }
tec
execute0_lowered:
.L_overlay_start_1:
0x0: {  	(tag) =	ssettag $0x1  }
0x1: {  	s1 =	rddreg [dreg:$0x0]  }
0x2: {  	s2 =	rddreg [dreg:$0x1]  }
0x3: {  	s0 =	rddreg [dreg:$0x2]  }
0x4: {  	s3 =	simm.s32 $0x0;
	s4 =	srdreg.scid;
	s8 =	stileid.u32  }
0x5: {  	s10 =	simm.s32 $0x2;
	s11 =	simm.s32 $0x80;
	s12 =	simm.s32 $0x400  }
0x6: {  	s13 =	simm.s32 $0x800;
	s14 =	simm.s32 $0x480;
	s15 =	simm.s32 $0xC00  }
0x7: {  	s16 =	simm.s32 $0x500;
	s17 =	simm.s32 $0x1000;
	s18 =	simm.s32 $0x580  }
0x8: {  	s19 =	simm.s32 $0x1400;
	s20 =	simm.s32 $0x600;
	s21 =	simm.s32 $0x1800  }
0x9: {  	s22 =	simm.s32 $0x680;
	s23 =	simm.s32 $0x1C00;
	s24 =	simm.s32 $0x700  }
0xa: {  	s25 =	simm.s32 $0x2000;
	s26 =	simm.s32 $0x780;
	s5 =	sand.u32 $0x1, s4  }
.Ltmp0:
0xb: {  	s28 =	simm.s32 $0x2400;
	s4 =	ssub.s32 $0x2, s5;
	(pc) =	sbr.rel .LBB2_1-.Ltmp0, $4  }
0xc: {  	s29 =	simm.s32 $0x1;
	[smem:$0x7FF] =	sst s3;
	s30 =	sshrl.u32 s4, $0x1  }
0xd: {  	s6 =	sadd.s32 $0x400, s0;
	s31 =	sshrl.u32 s8, $0x1;
	s0 =	ssub.s32 s4, s30  }
0xe: {  	v1 =	vimm.s32 $0x3010200;
	_ =	strace $0x80000047;
	[dreg:$0x4] =	wrdreg s31;
	s0 =	smax.u32 s0, $0x1  }
0xf: {  	v0 =	vlaneseq.u32;
	s7 =	sshll.u32 s8, $0x1;
	v1 =	vunpack.c.0.s8.s32 v1;
	s4 =	simm.s32 $0x0;
	[dreg:$0x5] =	wrdreg s0  }
.LBB2_13:
0x10: {  	s4 =	rddreg [dreg:$0x6]  }
0x11: {  	s0 =	rddreg [dreg:$0x5];
	s4 =	sadd.s32 $0x1, s4  }
0x12: {  	p0 =	sne.s32 s4, s0  }
.Ltmp1:
0x13: {  	_ = 	snop;
	(pc) =	sbr.rel @!p0 .LBB2_14-.Ltmp1, $1  }
0x14: {  	_ =	sdelay $0x3  }
.LBB2_1:
.Ltmp2:
0x15: {  	(pc) =	sbr.rel .LBB2_2-.Ltmp2, $3  }
0x16: {  	_ =	sdelay $0x1  }
0x17: {  	[dreg:$0x6] =	wrdreg s4  }
0x18: {  	s31 =	rddreg [dreg:$0x4];
	s0 =	simm.s32 $0x0  }
.LBB2_4:
0x19: {  	_ = 	snop  }
.LBB2_11:
0x1a: {  	_ =	sdelay $0x3  }
0x1b: {  	v6 =	vmov s8;
	v2 =	vmul.u32 $0x8, v2;
	[tilespmem:v5+s13+$0x0] =	vst.idx.msk @p1 $0xffff, v4;
	v4 =	vand.u32 @p0 $0x3, v0  }
0x1c: {  	v63 =	vshll.u32 v6, $0x3;
	v3 =	vld.idx.msk @p0 [tilespmem:v3+s13+$0x0], $0xffff;
	v4 =	vor.u32 @p0 v4, v8  }
0x1d: {  	v2 =	vor.u32 v2, v63;
	v4 =	vpsel p0, v4, v0  }
0x1e: {  	v5 =	vor.u32 v1, v2;
	_ =	sdelay $0x2  }
0x1f: {  	v3 =	vpsel p0, v3, v0  }
0x20: {  	[tilespmem:v4+s13+$0x0] =	vst.idx.msk @p0 $0xffff, v3;
	v3 =	vand.u32 $0x3, v0  }
0x21: {  	v4 =	vld.idx.msk [tilespmem:v5+s13+$0x0], $0xffff;
	v2 =	vor.u32 v3, v2;
	_ =	sdelay $0x4  }
0x22: {  	[tilespmem:v2+s13+$0x0] =	vst.idx.msk $0xffff, v4  }
.LBB2_12:
0x23: {  	s8 =	sand.u32 $0x3FC, s9;
	v2 =	vshrl.u32 v0, $0x2  }
0x24: {  	v2 =	vor.u32 s8, v2  }
0x25: {  	v3 =	vshll.u32 v2, $0x3  }
0x26: {  	v4 =	vor.u32 v1, v3;
	_ =	sdelay $0x4  }
0x27: {  	v5 =	vand.u32 $0x3, v0;
	vm0 =	vle.u32 v2, s4;
	v4 =	vld.idx.msk [tilespmem:v4+s13+$0x0], $0xffff  }
0x28: {  	v3 =	vor.u32 v5, v3;
	_ =	sdelay $0x2  }
0x29: {  	s0 =	sadd.s32 $0x1, s0;
	vm1 =	veq.s32 v2, s4  }
0x2a: {  	s30 =	sshll.u32 s4, $0xA;
	p0 =	sne.s32 s0, $0x20;
	v2 =	vsel vm1, $0x0, v4  }
.Ltmp3:
0x2b: {  	s4 =	sadd.s32 s6, s30;
	[tilespmem:v3+s13+$0x0] =	vst.idx.msk vm0, v2;
	(pc) =	sbr.rel @!p0 .LBB2_13-.Ltmp3, $4  }
0x2c: {  	[hbm4b:s4+s3] =	stream.linear.scatter [tilespmem:s13], [sflag:$0x2], $0x2000, $0x38;
	[tilespmem:$0x2800] =	vst v63  }
0x2d: {  	_ =	swait.ge [sflag:s10], $0x2000  }
0x2e: {  	[sflag:s10] =	ssyncset.done $0x0  }
0x2f: {  	s31 =	sadd.s32 $0x8, s31;
	[sflag:s10] =	ssyncadd.s32 $0xFFFFE000  }
.LBB2_2:
0x30: {  	s4 =	sshll.u32 s0, $0x5  }
0x31: {  	s9 =	sor.u32 s7, s4  }
0x32: {  	s4 =	sor.u32 s5, s9  }
0x33: {  	s8 =	sshll.u32 s4, $0x7  }
0x34: {  	s30 =	sadd.s32 s2, s8;
	s8 =	simm.s32 $0x0  }
0x35: {  	[tilespmem:s8], [sflag:$0x2] =	stream.linear.gather [hbm4b:s30+s8], $0x400, $0x38;
	[tilespmem:$0x2800] =	vst v63  }
0x36: {  	_ =	swait.ge [sflag:s10], $0x400  }
0x37: {  	[sflag:s10] =	ssyncset.done $0x0  }
0x38: {  	[sflag:s10] =	ssyncadd.s32 $0xFFFFFC00  }
0x39: {  	v2 =	vld [tilespmem:$0x0]  }
0x3a: {  	v3 =	vld [tilespmem:$0x10]  }
0x3b: {  	v4 =	vld [tilespmem:$0x20]  }
0x3c: {  	v6 =	vld [tilespmem:$0x30]  }
0x3d: {  	v7 =	vld [tilespmem:$0x40]  }
0x3e: {  	v8 =	vld [tilespmem:$0x50]  }
0x3f: {  	v55 =	vld [tilespmem:$0x60]  }
0x40: {  	v10 =	vld [tilespmem:$0x70]  }
0x41: {  	v11 =	vld [tilespmem:$0x80]  }
0x42: {  	v59 =	vld [tilespmem:$0x90]  }
0x43: {  	v61 =	vld [tilespmem:$0xA0]  }
0x44: {  	v14 =	vld [tilespmem:$0xB0]  }
0x45: {  	v30 =	vld [tilespmem:$0xC0]  }
0x46: {  	v32 =	vld [tilespmem:$0xD0]  }
0x47: {  	v17 =	vld [tilespmem:$0xE0]  }
0x48: {  	v34 =	vld [tilespmem:$0xF0];
	vm0 =	vgt.s32 v2, $0x7FDFF  }
0x49: {  	v36 =	vld [tilespmem:$0x100];
	vm1 =	vgt.s32 v2, $0x801FF;
	v5 =	vadd.s32 $0xFFF7FE00, v2;
	vm10 =	vgt.s32 v3, $0x801FF  }
0x4a: {  	v38 =	vld [tilespmem:$0x120];
	vm11 =	vgt.s32 v3, $0x7FDFF;
	v54 =	vadd.s32 $0xFFF7FE00, v3;
	vm12 =	vgt.s32 v4, $0x7FDFF  }
0x4b: {  	v40 =	vld [tilespmem:$0x130];
	vm13 =	vgt.s32 v4, $0x801FF;
	vm14 =	vgt.s32 v6, $0x7FDFF;
	vm15 =	vgt.s32 v6, $0x801FF  }
0x4c: {  	v42 =	vld [tilespmem:$0x150];
	v56 =	vadd.s32 $0xFFF7FE00, v6;
	vm4 =	vgt.s32 v7, $0x801FF;
	vm5 =	vgt.s32 v7, $0x7FDFF  }
0x4d: {  	v44 =	vld [tilespmem:$0x160];
	v57 =	vadd.s32 $0xFFF7FE00, v7;
	vm6 =	vgt.s32 v8, $0x7FDFF;
	vm7 =	vgt.s32 v8, $0x801FF  }
0x4e: {  	v46 =	vld [tilespmem:$0x180];
	v13 =	vadd.s32 $0xFFF7FE00, v8;
	vm8 =	vgt.s32 v55, $0x7FDFF;
	vm9 =	vgt.s32 v55, $0x801FF  }
0x4f: {  	v49 =	vld [tilespmem:$0x1B0];
	v60 =	vadd.s32 $0xFFF7FE00, v55;
	v62 =	vadd.s32 $0xFFF7FE00, v10;
	v16 =	vadd.s32 $0xFFF7FE00, v11  }
0x50: {  	v31 =	vadd.s32 $0xFFF7FE00, v59;
	v33 =	vadd.s32 $0xFFF7FE00, v61;
	v19 =	vadd.s32 $0xFFF7FE00, v14  }
0x51: {  	v35 =	vadd.s32 $0xFFF7FE00, v30;
	v37 =	vadd.s32 $0xFFF7FE00, v32;
	v22 =	vadd.s32 $0xFFF7FE00, v17  }
0x52: {  	v39 =	vadd.s32 $0xFFF7FE00, v34;
	v41 =	vadd.s32 $0xFFF7FE00, v36;
	v43 =	vadd.s32 $0xFFF7FE00, v38  }
0x53: {  	v45 =	vadd.s32 $0xFFF7FE00, v40;
	v47 =	vadd.s32 $0xFFF7FE00, v42;
	v28 =	vadd.s32 $0xFFF7FE00, v44  }
0x54: {  	v50 =	vadd.s32 $0xFFF7FE00, v46;
	v53 =	vadd.s32 $0xFFF7FE00, v49;
	v2 =	vsel vm0, $0x0, v2  }
0x55: {  	v3 =	vsel vm11, $0x0, v3;
	v9 =	vsel vm12, $0x0, v4;
	v4 =	vadd.s32 $0xFFF7FE00, v4  }
0x56: {  	v6 =	vsel vm14, $0x0, v6;
	v7 =	vsel vm5, $0x0, v7;
	v12 =	vsel vm6, $0x0, v8  }
0x57: {  	vm11 =	vgt.s32 v10, $0x7FDFF;
	vm12 =	vgt.s32 v11, $0x7FDFF;
	vm14 =	vgt.s32 v59, $0x7FDFF  }
0x58: {  	vm5 =	vgt.s32 v61, $0x7FDFF;
	vm6 =	vgt.s32 v14, $0x7FDFF;
	v2 =	vsel vm1, v5, v2  }
0x59: {  	v20 =	vld [tilespmem:$0x110];
	v5 =	vsel vm10, v54, v3;
	v3 =	vsel vm13, v4, v9;
	v4 =	vsel vm15, v56, v6  }
0x5a: {  	v51 =	vld [tilespmem:$0x1C0];
	v58 =	vsel vm4, v57, v7;
	v6 =	vsel vm7, v13, v12;
	v9 =	vsel vm8, $0x0, v55  }
0x5b: {  	v52 =	vld [tilespmem:$0x1E0];
	vm10 =	vgt.s32 v10, $0x801FF;
	v10 =	vsel vm11, $0x0, v10;
	v15 =	vsel vm12, $0x0, v11  }
0x5c: {  	vm13 =	vgt.s32 v11, $0x801FF;
	vm15 =	vgt.s32 v59, $0x801FF;
	v12 =	vsel vm14, $0x0, v59  }
0x5d: {  	vm4 =	vgt.s32 v61, $0x801FF;
	v13 =	vsel vm5, $0x0, v61;
	v18 =	vsel vm6, $0x0, v14  }
0x5e: {  	vm7 =	vgt.s32 v14, $0x801FF;
	vm8 =	vgt.s32 v30, $0x7FDFF;
	vm11 =	vgt.s32 v32, $0x7FDFF  }
0x5f: {  	vm12 =	vgt.s32 v17, $0x7FDFF;
	vm14 =	vgt.s32 v34, $0x7FDFF;
	vm5 =	vgt.s32 v36, $0x7FDFF  }
0x60: {  	vm6 =	vgt.s32 v20, $0x7FDFF;
	v55 =	vadd.s32 $0xFFF7FE00, v51;
	v61 =	vadd.s32 $0xFFF7FE00, v52  }
0x61: {  	v7 =	vsel vm9, v60, v9;
	v63 =	vsel vm10, v62, v10;
	v9 =	vsel vm13, v16, v15  }
0x62: {  	v23 =	vld [tilespmem:$0x140];
	v10 =	vsel vm15, v31, v12;
	v14 =	vsel vm4, v33, v13;
	v12 =	vsel vm7, v19, v18  }
0x63: {  	v26 =	vld [tilespmem:$0x170];
	vm9 =	vgt.s32 v30, $0x801FF;
	v15 =	vsel vm8, $0x0, v30;
	vm10 =	vgt.s32 v32, $0x801FF  }
0x64: {  	v48 =	vld [tilespmem:$0x190];
	v16 =	vsel vm11, $0x0, v32;
	v21 =	vsel vm12, $0x0, v17;
	vm13 =	vgt.s32 v17, $0x801FF  }
0x65: {  	vm15 =	vgt.s32 v34, $0x801FF;
	v18 =	vsel vm14, $0x0, v34;
	vm4 =	vgt.s32 v36, $0x801FF  }
0x66: {  	v19 =	vsel vm5, $0x0, v36;
	v24 =	vsel vm6, $0x0, v20;
	vm7 =	vgt.s32 v20, $0x801FF  }
0x67: {  	v20 =	vadd.s32 $0xFFF7FE00, v20;
	vm8 =	vgt.s32 v38, $0x7FDFF;
	vm11 =	vgt.s32 v40, $0x7FDFF  }
0x68: {  	vm12 =	vgt.s32 v23, $0x7FDFF;
	vm14 =	vgt.s32 v42, $0x7FDFF;
	vm5 =	vgt.s32 v44, $0x7FDFF  }
0x69: {  	vm6 =	vgt.s32 v26, $0x7FDFF;
	v31 =	vadd.s32 $0xFFF7FE00, v48;
	v13 =	vsel vm9, v35, v15  }
0x6a: {  	v17 =	vsel vm10, v37, v16;
	v15 =	vsel vm13, v22, v21;
	v16 =	vsel vm15, v39, v18  }
0x6b: {  	v29 =	vld [tilespmem:$0x1A0];
	v25 =	vsel vm4, v41, v19;
	v18 =	vsel vm7, v20, v24;
	vm9 =	vgt.s32 v38, $0x801FF  }
0x6c: {  	v21 =	vsel vm8, $0x0, v38;
	vm10 =	vgt.s32 v40, $0x801FF;
	v22 =	vsel vm11, $0x0, v40  }
0x6d: {  	v27 =	vsel vm12, $0x0, v23;
	vm13 =	vgt.s32 v23, $0x801FF;
	v23 =	vadd.s32 $0xFFF7FE00, v23  }
0x6e: {  	vm15 =	vgt.s32 v42, $0x801FF;
	v20 =	vsel vm14, $0x0, v42;
	vm4 =	vgt.s32 v44, $0x801FF  }
0x6f: {  	v30 =	vsel vm6, $0x0, v26;
	vm7 =	vgt.s32 v26, $0x801FF;
	v26 =	vadd.s32 $0xFFF7FE00, v26  }
0x70: {  	vm8 =	vgt.s32 v46, $0x7FDFF;
	vm11 =	vgt.s32 v48, $0x7FDFF;
	vm12 =	vgt.s32 v29, $0x7FDFF  }
0x71: {  	vm14 =	vgt.s32 v49, $0x7FDFF;
	v19 =	vsel vm9, v43, v21;
	v22 =	vsel vm10, v45, v22  }
0x72: {  	v23 =	vsel vm13, v23, v27;
	v20 =	vsel vm15, v47, v20;
	v21 =	vsel vm5, $0x0, v44  }
0x73: {  	v26 =	vsel vm7, v26, v30;
	vm9 =	vgt.s32 v46, $0x801FF;
	v24 =	vsel vm8, $0x0, v46  }
0x74: {  	vm10 =	vgt.s32 v48, $0x801FF;
	v27 =	vsel vm11, $0x0, v48;
	v33 =	vsel vm12, $0x0, v29  }
0x75: {  	v54 =	vld [tilespmem:$0x1F0];
	[tilespmem:$0x400] =	vst v2;
	vm13 =	vgt.s32 v29, $0x801FF;
	v29 =	vadd.s32 $0xFFF7FE00, v29;
	vm15 =	vgt.s32 v49, $0x801FF  }
0x76: {  	v57 =	vld [tilespmem:$0x200];
	[tilespmem:$0x410] =	vst v5;
	vm5 =	vgt.s32 v51, $0x7FDFF;
	vm8 =	vgt.s32 v52, $0x7FDFF;
	v21 =	vsel vm4, v28, v21  }
0x77: {  	v32 =	vld [tilespmem:$0x1D0];
	[tilespmem:$0x420] =	vst v3;
	v24 =	vsel vm9, v50, v24;
	v2 =	vsel vm10, v31, v27;
	v27 =	vsel vm13, v29, v33  }
0x78: {  	[tilespmem:$0x430] =	vst v4;
	v28 =	vsel vm14, $0x0, v49;
	vm4 =	vgt.s32 v51, $0x801FF;
	v56 =	vsel vm5, $0x0, v51  }
0x79: {  	[tilespmem:$0x440] =	vst v58;
	v60 =	vld [tilespmem:$0x210];
	vm9 =	vgt.s32 v52, $0x801FF;
	v62 =	vsel vm8, $0x0, v52;
	v3 =	vsel vm15, v53, v28  }
0x7a: {  	[tilespmem:$0x460] =	vst v7;
	v4 =	vsel vm4, v55, v56;
	v7 =	vsel vm9, v61, v62;
	vm10 =	vgt.s32 v54, $0x801FF  }
0x7b: {  	[tilespmem:$0x470] =	vst v63;
	v63 =	vld [tilespmem:$0x220];
	vm11 =	vgt.s32 v54, $0x7FDFF;
	vm12 =	vgt.s32 v57, $0x7FDFF;
	vm13 =	vgt.s32 v57, $0x801FF  }
0x7c: {  	[tilespmem:$0x450] =	vst v6;
	v37 =	vld [tilespmem:$0x240];
	v35 =	vadd.s32 $0xFFF7FE00, v57;
	vm6 =	vgt.s32 v32, $0x7FDFF;
	vm7 =	vgt.s32 v32, $0x801FF  }
0x7d: {  	[tilespmem:$0x480] =	vst v9;
	v39 =	vld [tilespmem:$0x250];
	v59 =	vadd.s32 $0xFFF7FE00, v32;
	v5 =	vsel vm11, $0x0, v54;
	v34 =	vsel vm12, $0x0, v57  }
0x7e: {  	[tilespmem:$0x490] =	vst v10;
	v41 =	vld [tilespmem:$0x260];
	vm14 =	vgt.s32 v60, $0x7FDFF;
	vm15 =	vgt.s32 v60, $0x801FF;
	v38 =	vadd.s32 $0xFFF7FE00, v60  }
0x7f: {  	[tilespmem:$0x4A0] =	vst v14;
	v58 =	vsel vm6, $0x0, v32;
	v32 =	vadd.s32 $0xFFF7FE00, v54;
	v36 =	vsel vm13, v35, v34  }
0x80: {  	[tilespmem:$0x4B0] =	vst v12;
	v45 =	vld [tilespmem:$0x270];
	v8 =	vsel vm14, $0x0, v60;
	vm4 =	vgt.s32 v63, $0x801FF;
	vm5 =	vgt.s32 v63, $0x7FDFF  }
0x81: {  	[tilespmem:$0x4C0] =	vst v13;
	v47 =	vld [tilespmem:$0x280];
	v40 =	vadd.s32 $0xFFF7FE00, v63;
	vm8 =	vgt.s32 v37, $0x7FDFF;
	vm9 =	vgt.s32 v37, $0x801FF  }
0x82: {  	[tilespmem:$0x500] =	vst v25;
	v25 =	vld [tilespmem:$0x320];
	v46 =	vadd.s32 $0xFFF7FE00, v37;
	vm11 =	vgt.s32 v39, $0x7FDFF;
	v48 =	vadd.s32 $0xFFF7FE00, v39  }
0x83: {  	[tilespmem:$0x4D0] =	vst v17;
	v30 =	vld [tilespmem:$0x340];
	vm12 =	vgt.s32 v41, $0x7FDFF;
	vm13 =	vgt.s32 v41, $0x801FF;
	v14 =	vadd.s32 $0xFFF7FE00, v41  }
0x84: {  	[tilespmem:$0x4E0] =	vst v15;
	v33 =	vld [tilespmem:$0x230];
	v6 =	vsel vm7, v59, v58;
	v5 =	vsel vm10, v32, v5;
	v8 =	vsel vm15, v38, v8  }
0x85: {  	[tilespmem:$0x4F0] =	vst v16;
	v11 =	vsel vm5, $0x0, v63;
	v10 =	vsel vm8, $0x0, v37;
	vm10 =	vgt.s32 v39, $0x801FF  }
0x86: {  	[tilespmem:$0x510] =	vst v18;
	v49 =	vld [tilespmem:$0x290];
	v12 =	vsel vm11, $0x0, v39;
	v50 =	vsel vm12, $0x0, v41;
	vm14 =	vgt.s32 v45, $0x7FDFF  }
0x87: {  	[tilespmem:$0x520] =	vst v19;
	v51 =	vld [tilespmem:$0x2A0];
	vm15 =	vgt.s32 v45, $0x801FF;
	v52 =	vadd.s32 $0xFFF7FE00, v45;
	vm5 =	vgt.s32 v47, $0x7FDFF  }
0x88: {  	[tilespmem:$0x540] =	vst v23;
	v23 =	vld [tilespmem:$0x310];
	v54 =	vadd.s32 $0xFFF7FE00, v47;
	v34 =	vadd.s32 $0xFFF7FE00, v25;
	v39 =	vadd.s32 $0xFFF7FE00, v30  }
0x89: {  	[tilespmem:$0x530] =	vst v22;
	vm6 =	vgt.s32 v33, $0x7FDFF;
	vm7 =	vgt.s32 v33, $0x801FF;
	v43 =	vadd.s32 $0xFFF7FE00, v33  }
0x8a: {  	[tilespmem:$0x550] =	vst v20;
	v53 =	vld [tilespmem:$0x2B0];
	v11 =	vsel vm4, v40, v11;
	v10 =	vsel vm9, v46, v10;
	v12 =	vsel vm10, v48, v12  }
0x8b: {  	[tilespmem:$0x570] =	vst v26;
	v55 =	vld [tilespmem:$0x2C0];
	v14 =	vsel vm13, v14, v50;
	v15 =	vsel vm14, $0x0, v45;
	vm4 =	vgt.s32 v47, $0x801FF  }
0x8c: {  	[tilespmem:$0x560] =	vst v21;
	v62 =	vld [tilespmem:$0x2F0];
	v16 =	vsel vm5, $0x0, v47;
	v18 =	vadd.s32 $0xFFF7FE00, v49;
	vm8 =	vgt.s32 v51, $0x7FDFF  }
0x8d: {  	[tilespmem:$0x580] =	vst v24;
	v28 =	vld [tilespmem:$0x330];
	vm9 =	vgt.s32 v51, $0x801FF;
	v59 =	vadd.s32 $0xFFF7FE00, v51;
	v31 =	vadd.s32 $0xFFF7FE00, v23  }
0x8e: {  	[tilespmem:$0x590] =	vst v2;
	v42 =	vsel vm6, $0x0, v33;
	v15 =	vsel vm15, v52, v15;
	vm6 =	vgt.s32 v49, $0x7FDFF  }
0x8f: {  	[tilespmem:$0x5A0] =	vst v27;
	v2 =	vsel vm4, v54, v16;
	v17 =	vsel vm8, $0x0, v51;
	vm10 =	vgt.s32 v53, $0x801FF  }
0x90: {  	[tilespmem:$0x5B0] =	vst v3;
	vm11 =	vgt.s32 v53, $0x7FDFF;
	v61 =	vadd.s32 $0xFFF7FE00, v53;
	vm12 =	vgt.s32 v55, $0x7FDFF  }
0x91: {  	[tilespmem:$0x5C0] =	vst v4;
	v60 =	vld [tilespmem:$0x2E0];
	vm13 =	vgt.s32 v55, $0x801FF;
	v21 =	vadd.s32 $0xFFF7FE00, v55;
	v27 =	vadd.s32 $0xFFF7FE00, v62  }
0x92: {  	[tilespmem:$0x5E0] =	vst v7;
	v37 =	vadd.s32 $0xFFF7FE00, v28;
	v44 =	vsel vm7, v43, v42;
	v56 =	vsel vm6, $0x0, v49  }
0x93: {  	[tilespmem:$0x600] =	vst v36;
	vm7 =	vgt.s32 v49, $0x801FF;
	v3 =	vsel vm9, v59, v17;
	v19 =	vsel vm11, $0x0, v53  }
0x94: {  	v58 =	vld [tilespmem:$0x2D0];
	[tilespmem:$0x5D0] =	vst v6;
	v63 =	vsel vm12, $0x0, v55;
	vm6 =	vgt.s32 v62, $0x7FDFF;
	vm11 =	vgt.s32 v23, $0x7FDFF  }
0x95: {  	[tilespmem:$0x5F0] =	vst v5;
	vm12 =	vgt.s32 v25, $0x7FDFF;
	v57 =	vsel vm7, v18, v56;
	v4 =	vsel vm10, v61, v19  }
0x96: {  	v32 =	vld [tilespmem:$0x350];
	[tilespmem:$0x610] =	vst v8;
	v6 =	vsel vm13, v21, v63;
	vm4 =	vgt.s32 v60, $0x801FF;
	vm5 =	vgt.s32 v60, $0x7FDFF  }
0x97: {  	v36 =	vld [tilespmem:$0x360];
	[tilespmem:$0x620] =	vst v11;
	v24 =	vadd.s32 $0xFFF7FE00, v60;
	v26 =	vsel vm6, $0x0, v62;
	vm7 =	vgt.s32 v62, $0x801FF  }
0x98: {  	v38 =	vld [tilespmem:$0x370];
	[tilespmem:$0x640] =	vst v10;
	vm10 =	vgt.s32 v23, $0x801FF;
	v9 =	vsel vm11, $0x0, v23;
	v33 =	vsel vm12, $0x0, v25  }
0x99: {  	[tilespmem:$0x650] =	vst v12;
	vm13 =	vgt.s32 v25, $0x801FF;
	vm14 =	vgt.s32 v58, $0x7FDFF;
	vm15 =	vgt.s32 v58, $0x801FF  }
0x9a: {  	[tilespmem:$0x660] =	vst v14;
	v22 =	vadd.s32 $0xFFF7FE00, v58;
	v17 =	vsel vm5, $0x0, v60;
	v11 =	vsel vm7, v27, v26  }
0x9b: {  	v40 =	vld [tilespmem:$0x380];
	[tilespmem:$0x680] =	vst v2;
	v2 =	vsel vm10, v31, v9;
	v35 =	vsel vm13, v34, v33;
	vm5 =	vgt.s32 v30, $0x7FDFF  }
0x9c: {  	v46 =	vld [tilespmem:$0x3A0];
	[tilespmem:$0x670] =	vst v15;
	vm6 =	vgt.s32 v32, $0x7FDFF;
	vm7 =	vgt.s32 v32, $0x801FF;
	v14 =	vadd.s32 $0xFFF7FE00, v32  }
0x9d: {  	[tilespmem:$0x630] =	vst v44;
	v44 =	vadd.s32 $0xFFF7FE00, v36;
	vm10 =	vgt.s32 v38, $0x801FF;
	vm11 =	vgt.s32 v38, $0x7FDFF  }
0x9e: {  	[tilespmem:$0x6A0] =	vst v3;
	v47 =	vadd.s32 $0xFFF7FE00, v38;
	v18 =	vsel vm14, $0x0, v58;
	v8 =	vsel vm4, v24, v17  }
0x9f: {  	v51 =	vld [tilespmem:$0x3C0];
	[tilespmem:$0x690] =	vst v57;
	vm14 =	vgt.s32 v28, $0x7FDFF;
	vm4 =	vgt.s32 v30, $0x801FF;
	v10 =	vsel vm5, $0x0, v30  }
0xa0: {  	v52 =	vld [tilespmem:$0x3D0];
	[tilespmem:$0x6B0] =	vst v4;
	v41 =	vsel vm6, $0x0, v32;
	v48 =	vsel vm11, $0x0, v38;
	vm12 =	vgt.s32 v40, $0x7FDFF  }
0xa1: {  	v43 =	vld [tilespmem:$0x390];
	[tilespmem:$0x6C0] =	vst v6;
	vm13 =	vgt.s32 v40, $0x801FF;
	v50 =	vadd.s32 $0xFFF7FE00, v40;
	vm5 =	vgt.s32 v46, $0x7FDFF  }
0xa2: {  	v49 =	vld [tilespmem:$0x3B0];
	[tilespmem:$0x6F0] =	vst v11;
	v53 =	vadd.s32 $0xFFF7FE00, v46;
	v5 =	vsel vm15, v22, v18;
	vm15 =	vgt.s32 v28, $0x801FF  }
0xa3: {  	v55 =	vld [tilespmem:$0x3E0];
	[tilespmem:$0x710] =	vst v2;
	v13 =	vsel vm14, $0x0, v28;
	v4 =	vsel vm4, v39, v10;
	v42 =	vsel vm7, v14, v41  }
0xa4: {  	v21 =	vld [tilespmem:$0x300];
	[tilespmem:$0x720] =	vst v35;
	v2 =	vsel vm12, $0x0, v40;
	vm4 =	vgt.s32 v46, $0x801FF;
	v54 =	vsel vm5, $0x0, v46  }
0xa5: {  	[tilespmem:$0x6E0] =	vst v8;
	v60 =	vadd.s32 $0xFFF7FE00, v51;
	vm11 =	vgt.s32 v52, $0x7FDFF;
	v3 =	vsel vm15, v37, v13  }
0xa6: {  	[tilespmem:$0x6D0] =	vst v5;
	v2 =	vsel vm13, v50, v2;
	vm14 =	vgt.s32 v43, $0x7FDFF;
	vm15 =	vgt.s32 v43, $0x801FF  }
0xa7: {  	[tilespmem:$0x740] =	vst v4;
	vm6 =	vgt.s32 v49, $0x7FDFF;
	vm7 =	vgt.s32 v49, $0x801FF;
	v57 =	vadd.s32 $0xFFF7FE00, v49  }
0xa8: {  	[tilespmem:$0x750] =	vst v42;
	v5 =	vsel vm4, v53, v54;
	v4 =	vsel vm11, $0x0, v52;
	vm12 =	vgt.s32 v55, $0x7FDFF  }
0xa9: {  	v59 =	vld [tilespmem:$0x3F0];
	vm13 =	vgt.s32 v55, $0x801FF;
	v62 =	vadd.s32 $0xFFF7FE00, v55;
	vm8 =	vgt.s32 v21, $0x7FDFF;
	[tilespmem:$0x730] =	vst v3  }
0xaa: {  	vm9 =	vgt.s32 v21, $0x801FF;
	v3 =	vadd.s32 $0xFFF7FE00, v43;
	v6 =	vsel vm14, $0x0, v43;
	[tilespmem:$0x780] =	vst v2  }
0xab: {  	v29 =	vadd.s32 $0xFFF7FE00, v21;
	v56 =	vsel vm6, $0x0, v49;
	[tilespmem:$0x7A0] =	vst v5;
	v3 =	vsel vm15, v3, v6  }
0xac: {  	v7 =	vsel vm8, $0x0, v21;
	vm8 =	vgt.s32 v36, $0x7FDFF;
	v58 =	vsel vm7, v57, v56;
	[tilespmem:$0x790] =	vst v3  }
0xad: {  	v7 =	vsel vm9, v29, v7;
	vm9 =	vgt.s32 v36, $0x801FF;
	v45 =	vsel vm8, $0x0, v36;
	[tilespmem:$0x7B0] =	vst v58  }
0xae: {  	v63 =	vadd.s32 $0xFFF7FE00, v59;
	vm8 =	vgt.s32 v51, $0x7FDFF;
	v8 =	vsel vm9, v44, v45;
	[tilespmem:$0x700] =	vst v7  }
0xaf: {  	v7 =	vsel vm10, v47, v48;
	vm9 =	vgt.s32 v51, $0x801FF;
	v2 =	vsel vm8, $0x0, v51;
	[tilespmem:$0x760] =	vst v8  }
0xb0: {  	v3 =	vadd.s32 $0xFFF7FE00, v52;
	vm10 =	vgt.s32 v52, $0x801FF;
	[tilespmem:$0x770] =	vst v7;
	v2 =	vsel vm9, v60, v2  }
0xb1: {  	v61 =	vsel vm12, $0x0, v55;
	vm14 =	vgt.s32 v59, $0x7FDFF;
	[tilespmem:$0x7C0] =	vst v2;
	v2 =	vsel vm10, v3, v4  }
0xb2: {  	vm15 =	vgt.s32 v59, $0x801FF;
	v3 =	vsel vm13, v62, v61;
	[tilespmem:$0x7D0] =	vst v2;
	v2 =	vsel vm14, $0x0, v59  }
0xb3: {  	[tilespmem:$0x7E0] =	vst v3;
	v2 =	vsel vm15, v63, v2  }
0xb4: {  	[tilespmem:$0x7F0] =	vst v2  }
0xb5: {  	[tilespmem:s13], [sflag:$0x1] =	stream.indirect.gather [hbm4b:s1+s11], $0x4, s12, s11, $0xb8;
	[tilespmem:$0x2800] =	vst v63  }
0xb6: {  	_ = 	snop  }
0xb7: {  	[tilespmem:s15], [sflag:$0x1] =	stream.indirect.gather [hbm4b:s1+s11], $0x4, s14, s11, $0xb8;
	[tilespmem:$0x2800] =	vst v63  }
0xb8: {  	_ = 	snop  }
0xb9: {  	[tilespmem:s17], [sflag:$0x1] =	stream.indirect.gather [hbm4b:s1+s11], $0x4, s16, s11, $0xb8;
	[tilespmem:$0x2800] =	vst v63  }
0xba: {  	_ = 	snop  }
0xbb: {  	[tilespmem:s19], [sflag:$0x1] =	stream.indirect.gather [hbm4b:s1+s11], $0x4, s18, s11, $0xb8;
	[tilespmem:$0x2800] =	vst v63  }
0xbc: {  	_ = 	snop  }
0xbd: {  	[tilespmem:s21], [sflag:$0x1] =	stream.indirect.gather [hbm4b:s1+s11], $0x4, s20, s11, $0xb8;
	[tilespmem:$0x2800] =	vst v63  }
0xbe: {  	_ = 	snop  }
0xbf: {  	[tilespmem:s23], [sflag:$0x1] =	stream.indirect.gather [hbm4b:s1+s11], $0x4, s22, s11, $0xb8;
	[tilespmem:$0x2800] =	vst v63  }
0xc0: {  	_ = 	snop  }
0xc1: {  	[tilespmem:s25], [sflag:$0x1] =	stream.indirect.gather [hbm4b:s1+s11], $0x4, s24, s11, $0xb8;
	[tilespmem:$0x2800] =	vst v63  }
0xc2: {  	_ = 	snop  }
0xc3: {  	[tilespmem:s28], [sflag:$0x1] =	stream.indirect.gather [hbm4b:s1+s11], $0x4, s26, s11, $0xb8;
	[tilespmem:$0x2800] =	vst v63  }
0xc4: {  	_ =	swait.ge [sflag:s29], $0x200  }
0xc5: {  	[sflag:s29] =	ssyncset.done $0x0  }
0xc6: {  	[sflag:s29] =	ssyncadd.s32 $0xFFFFFE00  }
0xc7: {  	_ =	swait.ge [sflag:s29], $0x200  }
0xc8: {  	[sflag:s29] =	ssyncset.done $0x0  }
0xc9: {  	[sflag:s29] =	ssyncadd.s32 $0xFFFFFE00  }
0xca: {  	_ =	swait.ge [sflag:s29], $0x200  }
0xcb: {  	[sflag:s29] =	ssyncset.done $0x0  }
0xcc: {  	[sflag:s29] =	ssyncadd.s32 $0xFFFFFE00  }
0xcd: {  	_ =	swait.ge [sflag:s29], $0x200  }
0xce: {  	[sflag:s29] =	ssyncset.done $0x0  }
0xcf: {  	[sflag:s29] =	ssyncadd.s32 $0xFFFFFE00  }
0xd0: {  	_ =	swait.ge [sflag:s29], $0x200  }
0xd1: {  	[sflag:s29] =	ssyncset.done $0x0  }
0xd2: {  	[sflag:s29] =	ssyncadd.s32 $0xFFFFFE00  }
0xd3: {  	_ =	swait.ge [sflag:s29], $0x200  }
0xd4: {  	[sflag:s29] =	ssyncset.done $0x0  }
0xd5: {  	[sflag:s29] =	ssyncadd.s32 $0xFFFFFE00  }
0xd6: {  	p0 =	slt.u32 s9, $0x4;
	_ =	swait.ge [sflag:s29], $0x200  }
.Ltmp4:
0xd7: {  	[sflag:s29] =	ssyncset.done $0x0;
	(pc) =	sbr.rel @p0 .LBB2_12-.Ltmp4, $4  }
0xd8: {  	[sflag:s29] =	ssyncadd.s32 $0xFFFFFE00  }
0xd9: {  	_ =	swait.ge [sflag:s29], $0x200  }
0xda: {  	[sflag:s29] =	ssyncset.done $0x0  }
0xdb: {  	[sflag:s29] =	ssyncadd.s32 $0xFFFFFE00  }
0xdc: {  	p2 =	sne.s32 s31, $0x1  }
.Ltmp5:
0xdd: {  	_ = 	snop;
	(pc) =	sbr.rel @!p2 .LBB2_4-.Ltmp5, $2  }
0xde: {  	_ =	sdelay $0x2  }
0xdf: {  	v2 =	vshrl.u32 v0, $0x2;
	s30 =	sadd.s32 $0xFFFFFFFF, s31;
	p0 =	por $0x0, $0x0;
	p1 =	por $0x0, $0x0  }
0xe0: {  	p2 =	sne.s32 s30, $0x1  }
.Ltmp6:
0xe1: {  	_ = 	snop;
	(pc) =	sbr.rel @!p2 .LBB2_6-.Ltmp6, $4  }
0xe2: {  	v3 =	vmov s8;
	v5 =	vmul.u32 $0x8, v2  }
0xe3: {  	v3 =	vshll.u32 v3, $0x3  }
0xe4: {  	v8 =	vor.u32 v5, v3  }
0xe5: {  	s30 =	sadd.s32 $0xFFFFFFFF, s30;
	s8 =	sadd.s32 $0x4, s8;
	p0 =	por $0x1, $0x1;
	v3 =	vor.u32 v1, v8  }
0xe6: {  	_ =	sdelay $0x1  }
0xe7: {  	v2 =	vmov s8  }
0xe8: {  	p2 =	sne.s32 s30, $0x1;
	v7 =	vand.u32 $0x3, v0;
	v2 =	vshll.u32 v2, $0x3  }
.Ltmp7:
0xe9: {  	v4 =	vld.idx.msk [tilespmem:v3+s13+$0x0], $0xffff;
	v6 =	vor.u32 v5, v2;
	v5 =	vor.u32 v7, v8;
	(pc) =	sbr.rel @!p2 .LBB2_8-.Ltmp7, $2  }
0xea: {  	v3 =	vor.u32 v1, v6;
	_ =	sdelay $0x2  }
0xeb: {  	s30 =	sadd.s32 $0xFFFFFFFF, s30;
	s8 =	sadd.s32 $0x4, s8;
	p1 =	por $0x1, $0x1;
	v2 =	vshrl.u32 v0, $0x2  }
.LBB2_9:
0xec: {  	p2 =	sne.s32 s30, $0x1;
	v8 =	vmov s8;
	v9 =	vmul.u32 $0x8, v2;
	[tilespmem:v5+s13+$0x0] =	vst.idx.msk $0xffff, v4  }
0xed: {  	v8 =	vshll.u32 v8, $0x3;
	v4 =	vld.idx.msk [tilespmem:v3+s13+$0x0], $0xffff  }
.Ltmp8:
0xee: {  	v5 =	vor.u32 v7, v6;
	v6 =	vor.u32 v9, v8;
	(pc) =	sbr.rel @p2 .LBB2_9-.Ltmp8, $2  }
0xef: {  	v3 =	vor.u32 v1, v6;
	_ =	sdelay $0x2  }
0xf0: {  	s30 =	sadd.s32 $0xFFFFFFFF, s30;
	s8 =	sadd.s32 $0x4, s8  }
.Ltmp9:
0xf1: {  	(pc) =	sbr.rel .LBB2_11-.Ltmp9, $2  }
0xf2: {  	_ =	sdelay $0x2  }
0xf3: {  	v8 =	vmov v6  }
.LBB2_6:
.Ltmp10:
0xf4: {  	(pc) =	sbr.rel .LBB2_11-.Ltmp10, $2  }
0xf5: {  	_ =	sdelay $0x2  }
0xf6: {  	_ = 	snop  }
.LBB2_8:
.Ltmp11:
0xf7: {  	(pc) =	sbr.rel .LBB2_11-.Ltmp11, $2  }
0xf8: {  	_ =	sdelay $0x2  }
0xf9: {  	v8 =	vmov v6  }
.LBB2_14:
0xfa: {  	_ =	sfence.sel $0x180000  }
0xfb: {  	[bflag:$0x0] =	sbarrier.arrive $0xFFFF  }
0xfc: {  	_ =	strace $0x90000047  }
0xfd: {  	s0 =	stileid.u32;
	[bflag:$0x2] =	sbarrier.arrive $0xFFFF  }
0xfe: {  	p0 =	sne.s32 s0, $0x0;
	s0 =	rddreg [dreg:$0x3]  }
0xff: {  	s0 =	sadd.s32 @!p0 $0x100000, s0  }
0x100: {  	[sflag:s0] =	ssyncadd.tile.s32 @!p0 $0x1;
	_ =	shalt  }
.Lfunc_end2:
_tile_overlayer_lowered:
.L_overlay_start_2:
0x101: {  	(tag) =	ssettag $0x2  }
0x102: {  	s0 =	rddreg [dreg:$0x0];
	s2 =	stileid.u32  }
0x103: {  	s1 =	rddreg [dreg:$0x1];
	p0 =	sne.s32 s2, $0x0  }
0x104: {  	s3 =	rddreg [dreg:$0x2];
	[bflag:$0x3] =	sbarrier.arrive $0xFFFF;
	s2 =	simm.s32 @!p0 $0x1C02  }
0x105: {  	[timem:s3], [sflag:s2] =	dma.local @!p0 [hbm:s0], s1  }
0x106: {  	s0 =	simm.s32 @!p0 $0x2  }
0x107: {  	_ =	swait.ge @!p0 [sflag:s0], s1  }
0x108: {  	s1 =	ssub.s32 @!p0 $0x0, s1;
	[sflag:s0] =	ssyncset.done @!p0 $0x0  }
0x109: {  	[sflag:s0] =	ssyncadd.s32 @!p0 s1  }
0x10a: {  	[bflag:$0x3] =	sbarrier.arrive $0xFFFF  }
0x10b: {  	_ =	shalt  }

</sc_bundles>
